<compile_context>
chip_gen: v7x
topology: tpu7x:2x2x1
jax: 0.10.2.dev20260603
libtpu: 0.0.44.dev20260713+nightly
codegen_flags: <defaults>
</compile_context>

<pallas_src>
import functools

import jax
import jax.numpy as jnp
from jax import lax
from jax.experimental import pallas as pl
from jax.experimental.pallas import tpu as pltpu
from jax.experimental.pallas import tpu_sc as plsc

VOCAB = 1000
DIM = 128
BATCH = 16384
FIELDS = 26
LN_EPS = 1e-5

NW = 32
BPW = BATCH // NW
CK = 128
NR = BPW // CK
NCH = FIELDS * NR
NBUF = 4


def _ln_table_kernel(w_ref, g_ref, b_ref, o_ref):
    w = w_ref[...]
    mean = jnp.mean(w, axis=1, keepdims=True)
    d = w - mean
    var = jnp.mean(d * d, axis=1, keepdims=True)
    o_ref[...] = d * lax.rsqrt(var + LN_EPS) * g_ref[...] + b_ref[...]


def _normalize_table(W, gamma, beta):
    return pl.pallas_call(
        _ln_table_kernel,
        out_shape=jax.ShapeDtypeStruct((VOCAB, DIM), jnp.float32),
    )(W, gamma.reshape(1, DIM), beta.reshape(1, DIM))


def _sc_gather_body(nt_hbm, xt_hbm, out_hbm, idx_t, buf_v,
                    g0, g1, g2, g3, s0, s1, s2, s3):
    nc = 2
    wid = lax.axis_index("s") * nc + lax.axis_index("c")
    row_base = wid * BPW
    gsem = (g0, g1, g2, g3)
    ssem = (s0, s1, s2, s3)

    pltpu.sync_copy(xt_hbm.at[pl.ds(0, FIELDS), pl.ds(row_base, BPW)], idx_t)

    def gather(c, b):
        f = c // NR
        r = c % NR
        return pltpu.make_async_copy(
            nt_hbm.at[idx_t.at[f, pl.ds(r * CK, CK)]], buf_v.at[b], gsem[b])

    def scatter(c, b):
        f = c // NR
        r = c % NR
        return pltpu.make_async_copy(
            buf_v.at[b],
            out_hbm.at[f, pl.ds(row_base + r * CK, CK)], ssem[b])

    def step(c, b, wait_s=True, start_g=True):
        gather(c, b).wait()
        if wait_s:
            scatter(c - 3, (b + 1) % NBUF).wait()
        if start_g:
            gather(c + 1, (b + 1) % NBUF).start()
        scatter(c, b).start()

    gather(0, 0).start()
    step(0, 0, wait_s=False)
    step(1, 1, wait_s=False)
    step(2, 2, wait_s=False)
    step(3, 3)

    def quad(g, _):
        c0 = 4 * g
        for k in range(NBUF):
            step(c0 + k, k)
        return 0

    lax.fori_loop(1, NCH // 4 - 1, quad, 0)

    step(NCH - 4, 0)
    step(NCH - 3, 1)
    step(NCH - 2, 2)
    step(NCH - 1, 3, start_g=False)
    scatter(NCH - 3, 1).wait()
    scatter(NCH - 2, 2).wait()
    scatter(NCH - 1, 3).wait()


@functools.partial(
    pl.kernel,
    out_type=jax.ShapeDtypeStruct((FIELDS, BATCH, DIM), jnp.float32),
    mesh=plsc.VectorSubcoreMesh(core_axis_name="c", subcore_axis_name="s"),
    scratch_types=[
        pltpu.VMEM((FIELDS, BPW), jnp.int32),
        pltpu.VMEM((NBUF, CK, DIM), jnp.float32),
        pltpu.SemaphoreType.DMA,
        pltpu.SemaphoreType.DMA,
        pltpu.SemaphoreType.DMA,
        pltpu.SemaphoreType.DMA,
        pltpu.SemaphoreType.DMA,
        pltpu.SemaphoreType.DMA,
        pltpu.SemaphoreType.DMA,
        pltpu.SemaphoreType.DMA,
    ],
)
def _sc_gather(nt_hbm, xt_hbm, out_hbm, idx_t, buf_v,
               g0, g1, g2, g3, s0, s1, s2, s3):
    _sc_gather_body(nt_hbm, xt_hbm, out_hbm, idx_t, buf_v,
                    g0, g1, g2, g3, s0, s1, s2, s3)


def kernel(x, W, gamma, beta):
    nt = _normalize_table(W, gamma, beta)
    out_fm = _sc_gather(nt, jnp.transpose(x.astype(jnp.int32)))
    return jnp.transpose(out_fm, (1, 0, 2))

# --- scband reference (transcript-rebuilt; emitter-appended) ---
"""Pipeline reference for scband-binned-embed-27238682591894 (READ-ONLY COPY).

The authoritative reference and input builder live on the scoring server;
editing this copy changes nothing except your own understanding.
"""

import jax, jax.numpy as jnp
import numpy as np

VOCAB = 1000
DIM = 128
BATCH = 16384
FIELDS = 26
LN_EPS = 1e-5


def setup_inputs(seed: int = 0) -> dict:
    key = jax.random.key(seed)
    k1, k2 = jax.random.split(key, 2)
    x = jax.random.randint(k1, (BATCH, FIELDS), 0, VOCAB, dtype=jnp.int64 if jax.config.jax_enable_x64 else jnp.int32)
    # nn.Embedding default init: N(0, 1)
    W = jax.random.normal(k2, (VOCAB, DIM), dtype=jnp.float32)
    # nn.LayerNorm default affine params
    gamma = jnp.ones((DIM,), dtype=jnp.float32)
    beta = jnp.zeros((DIM,), dtype=jnp.float32)
    return {"x": x, "W": W, "gamma": gamma, "beta": beta}


def reference(x, W, gamma, beta):
    # embedding lookup
    emb = jnp.take(W, x, axis=0)  # [B, F, DIM]
    # LayerNorm over last dim (biased variance, matching torch)
    mean = jnp.mean(emb, axis=-1, keepdims=True)
    var = jnp.mean(jnp.square(emb - mean), axis=-1, keepdims=True)
    normed = (emb - mean) / jnp.sqrt(var + LN_EPS)
    out = normed * gamma + beta
    # dropout_prob = 0.0 -> identity
    return out

if __name__ == "__main__":
    import jax
    _d = setup_inputs()
    print(jax.jit(kernel)(*tuple(_d.values())))

</pallas_src>

<mosaic_0001>
#map = affine_map<(d0, d1) -> (0, 0)>
#map1 = affine_map<(d0, d1) -> (0, 0, 0)>
module attributes {stable_mosaic.version = 14 : i64} {
  func.func @_sc_gather(%arg0: i32, %arg1: i32, %arg2: memref<1000x128xf32, #tpu.memory_space<hbm>>, %arg3: memref<26x16384xi32, #tpu.memory_space<hbm>>, %arg4: memref<26x16384x128xf32, #tpu.memory_space<hbm>>, %arg5: memref<26x512xi32, #tpu.memory_space<vmem>>, %arg6: memref<4x128x128xf32, #tpu.memory_space<vmem>>, %arg7: memref<!tpu.dma_semaphore, #tpu.memory_space<semaphore_mem>>, %arg8: memref<!tpu.dma_semaphore, #tpu.memory_space<semaphore_mem>>, %arg9: memref<!tpu.dma_semaphore, #tpu.memory_space<semaphore_mem>>, %arg10: memref<!tpu.dma_semaphore, #tpu.memory_space<semaphore_mem>>, %arg11: memref<!tpu.dma_semaphore, #tpu.memory_space<semaphore_mem>>, %arg12: memref<!tpu.dma_semaphore, #tpu.memory_space<semaphore_mem>>, %arg13: memref<!tpu.dma_semaphore, #tpu.memory_space<semaphore_mem>>, %arg14: memref<!tpu.dma_semaphore, #tpu.memory_space<semaphore_mem>>) attributes {dimension_semantics = [#tpu.dimension_semantics<core_parallel>, #tpu.dimension_semantics<subcore_parallel>], iteration_bounds = array<i64: 2, 16>, scalar_prefetch = 0 : i64, scratch_operands = 10 : i64, tpu.core_type = #tpu.core_type<sc_vector_subcore>, window_params = [{transform_indices = #map}, {transform_indices = #map}, {transform_indices = #map1}]} {
    %mul3A = arith.constant 2 : i32
    %mul3A_0 = arith.muli %arg1, %mul3A : i32
    %add3A = arith.addi %mul3A_0, %arg0 : i32
    %mul3A_1 = arith.constant 512 : i32
    %mul3A_2 = arith.muli %add3A, %mul3A_1 : i32
    "tpu.region"() ({
      %run_scoped3A = tpu.sem_alloc : memref<!tpu.dma_semaphore, #tpu.memory_space<semaphore_mem>>
      %dma_start3A_487 = arith.constant 0 : i32
      %dma_start3A_488 = tpu.memref_slice %arg3[%dma_start3A_487, %mul3A_2] : memref<26x16384xi32, #tpu.memory_space<hbm>> -> memref<26x512xi32, #tpu.memory_space<hbm>>
      %dma_start3A_489 = arith.constant 0 : i32
      %dma_start3A_490 = tpu.memref_slice %arg3[%dma_start3A_489, %mul3A_2] : memref<26x16384xi32, #tpu.memory_space<hbm>> -> memref<26x512xi32, #tpu.memory_space<hbm>>
      tpu.enqueue_dma source(%dma_start3A_490 : memref<26x512xi32, #tpu.memory_space<hbm>>) target(%arg5 : memref<26x512xi32, #tpu.memory_space<vmem>>) target_semaphore(%run_scoped3A : memref<!tpu.dma_semaphore, #tpu.memory_space<semaphore_mem>>)
      %dma_wait3A_491 = arith.constant 0 : i32
      %dma_wait3A_492 = tpu.memref_slice %arg3[%dma_wait3A_491, %mul3A_2] : memref<26x16384xi32, #tpu.memory_space<hbm>> -> memref<26x512xi32, #tpu.memory_space<hbm>>
      %dma_wait3A_493 = arith.constant 0 : i32
      %dma_wait3A_494 = tpu.memref_slice %arg3[%dma_wait3A_493, %mul3A_2] : memref<26x16384xi32, #tpu.memory_space<hbm>> -> memref<26x512xi32, #tpu.memory_space<hbm>>
      tpu.wait_dma2 semaphore(%run_scoped3A : memref<!tpu.dma_semaphore, #tpu.memory_space<semaphore_mem>>) src(%dma_wait3A_494 : memref<26x512xi32, #tpu.memory_space<hbm>>) dst(%arg5 : memref<26x512xi32, #tpu.memory_space<vmem>>)
      tpu.yield
    }) : () -> ()
    %dma_start3A = arith.constant 0 : i32
    %dma_start3A_3 = arith.constant 0 : i32
    %dma_start3A_4 = arith.constant 0 : i32
    %dma_start3A_5 = arith.constant 0 : i32
    %dma_start3A_6 = tpu.memref_slice %arg6[%dma_start3A_3, %dma_start3A_4, %dma_start3A_5] : memref<4x128x128xf32, #tpu.memory_space<vmem>> -> memref<1x128x128xf32, #tpu.memory_space<vmem>>
    %dma_start3A_7 = tpu.memref_squeeze %dma_start3A_6 : memref<1x128x128xf32, #tpu.memory_space<vmem>> -> memref<128x128xf32, #tpu.memory_space<vmem>>
    %dma_start3A_8 = arith.constant 0 : i32
    %dma_start3A_9 = tpu.memref_slice %arg5[%dma_start3A, %dma_start3A_8] : memref<26x512xi32, #tpu.memory_space<vmem>> -> memref<1x128xi32, #tpu.memory_space<vmem>>
    %dma_start3A_10 = tpu.memref_squeeze %dma_start3A_9 : memref<1x128xi32, #tpu.memory_space<vmem>> -> memref<128xi32, #tpu.memory_space<vmem>>
    %dma_start3A_11 = arith.constant 0 : i32
    %dma_start3A_12 = arith.constant 0 : i32
    %dma_start3A_13 = tpu.memref_slice %arg2[%dma_start3A_11, %dma_start3A_12] : memref<1000x128xf32, #tpu.memory_space<hbm>> -> memref<1000x128xf32, #tpu.memory_space<hbm>>
    tpu.enqueue_indirect_dma source(%dma_start3A_13 : memref<1000x128xf32, #tpu.memory_space<hbm>>) target(%dma_start3A_7 : memref<128x128xf32, #tpu.memory_space<vmem>>) offsets(%dma_start3A_10 : memref<128xi32, #tpu.memory_space<vmem>>) semaphore(%arg7 : memref<!tpu.dma_semaphore, #tpu.memory_space<semaphore_mem>>)
    %dma_wait3A = arith.constant 0 : i32
    %dma_wait3A_14 = arith.constant 0 : i32
    %dma_wait3A_15 = arith.constant 0 : i32
    %dma_wait3A_16 = arith.constant 0 : i32
    %dma_wait3A_17 = tpu.memref_slice %arg6[%dma_wait3A_14, %dma_wait3A_15, %dma_wait3A_16] : memref<4x128x128xf32, #tpu.memory_space<vmem>> -> memref<1x128x128xf32, #tpu.memory_space<vmem>>
    %dma_wait3A_18 = tpu.memref_squeeze %dma_wait3A_17 : memref<1x128x128xf32, #tpu.memory_space<vmem>> -> memref<128x128xf32, #tpu.memory_space<vmem>>
    %dma_wait3A_19 = arith.constant 0 : i32
    %dma_wait3A_20 = tpu.memref_slice %arg5[%dma_wait3A, %dma_wait3A_19] : memref<26x512xi32, #tpu.memory_space<vmem>> -> memref<1x128xi32, #tpu.memory_space<vmem>>
    %dma_wait3A_21 = tpu.memref_squeeze %dma_wait3A_20 : memref<1x128xi32, #tpu.memory_space<vmem>> -> memref<128xi32, #tpu.memory_space<vmem>>
    %dma_wait3A_22 = arith.constant 0 : i32
    %dma_wait3A_23 = arith.constant 0 : i32
    %dma_wait3A_24 = tpu.memref_slice %arg2[%dma_wait3A_22, %dma_wait3A_23] : memref<1000x128xf32, #tpu.memory_space<hbm>> -> memref<1000x128xf32, #tpu.memory_space<hbm>>
    tpu.wait_indirect_dma semaphore(%arg7 : memref<!tpu.dma_semaphore, #tpu.memory_space<semaphore_mem>>) src(%dma_wait3A_24 : memref<1000x128xf32, #tpu.memory_space<hbm>>) dst(%dma_wait3A_18 : memref<128x128xf32, #tpu.memory_space<vmem>>)
    %dma_start3A_25 = arith.constant 0 : i32
    %dma_start3A_26 = arith.constant 1 : i32
    %dma_start3A_27 = arith.constant 0 : i32
    %dma_start3A_28 = arith.constant 0 : i32
    %dma_start3A_29 = tpu.memref_slice %arg6[%dma_start3A_26, %dma_start3A_27, %dma_start3A_28] : memref<4x128x128xf32, #tpu.memory_space<vmem>> -> memref<1x128x128xf32, #tpu.memory_space<vmem>>
    %dma_start3A_30 = tpu.memref_squeeze %dma_start3A_29 : memref<1x128x128xf32, #tpu.memory_space<vmem>> -> memref<128x128xf32, #tpu.memory_space<vmem>>
    %dma_start3A_31 = arith.constant 128 : i32
    %dma_start3A_32 = tpu.memref_slice %arg5[%dma_start3A_25, %dma_start3A_31] : memref<26x512xi32, #tpu.memory_space<vmem>> -> memref<1x128xi32, #tpu.memory_space<vmem>>
    %dma_start3A_33 = tpu.memref_squeeze %dma_start3A_32 : memref<1x128xi32, #tpu.memory_space<vmem>> -> memref<128xi32, #tpu.memory_space<vmem>>
    %dma_start3A_34 = arith.constant 0 : i32
    %dma_start3A_35 = arith.constant 0 : i32
    %dma_start3A_36 = tpu.memref_slice %arg2[%dma_start3A_34, %dma_start3A_35] : memref<1000x128xf32, #tpu.memory_space<hbm>> -> memref<1000x128xf32, #tpu.memory_space<hbm>>
    tpu.enqueue_indirect_dma source(%dma_start3A_36 : memref<1000x128xf32, #tpu.memory_space<hbm>>) target(%dma_start3A_30 : memref<128x128xf32, #tpu.memory_space<vmem>>) offsets(%dma_start3A_33 : memref<128xi32, #tpu.memory_space<vmem>>) semaphore(%arg8 : memref<!tpu.dma_semaphore, #tpu.memory_space<semaphore_mem>>)
    %add3A_37 = arith.constant 0 : i32
    %add3A_38 = arith.addi %mul3A_2, %add3A_37 : i32
    %dma_start3A_39 = arith.constant 0 : i32
    %dma_start3A_40 = arith.constant 0 : i32
    %dma_start3A_41 = arith.constant 0 : i32
    %dma_start3A_42 = arith.constant 0 : i32
    %dma_start3A_43 = tpu.memref_slice %arg6[%dma_start3A_39, %dma_start3A_41, %dma_start3A_42] : memref<4x128x128xf32, #tpu.memory_space<vmem>> -> memref<1x128x128xf32, #tpu.memory_space<vmem>>
    %dma_start3A_44 = tpu.memref_squeeze %dma_start3A_43 : memref<1x128x128xf32, #tpu.memory_space<vmem>> -> memref<128x128xf32, #tpu.memory_space<vmem>>
    %dma_start3A_45 = arith.constant 0 : i32
    %dma_start3A_46 = tpu.memref_slice %arg4[%dma_start3A_40, %add3A_38, %dma_start3A_45] : memref<26x16384x128xf32, #tpu.memory_space<hbm>> -> memref<1x128x128xf32, #tpu.memory_space<hbm>>
    %dma_start3A_47 = tpu.memref_squeeze %dma_start3A_46 : memref<1x128x128xf32, #tpu.memory_space<hbm>> -> memref<128x128xf32, #tpu.memory_space<hbm>>
    %dma_start3A_48 = arith.constant 0 : i32
    %dma_start3A_49 = tpu.memref_slice %arg4[%dma_start3A_40, %add3A_38, %dma_start3A_48] : memref<26x16384x128xf32, #tpu.memory_space<hbm>> -> memref<1x128x128xf32, #tpu.memory_space<hbm>>
    %dma_start3A_50 = tpu.memref_squeeze %dma_start3A_49 : memref<1x128x128xf32, #tpu.memory_space<hbm>> -> memref<128x128xf32, #tpu.memory_space<hbm>>
    %dma_start3A_51 = arith.constant 0 : i32
    %dma_start3A_52 = arith.constant 0 : i32
    %dma_start3A_53 = tpu.memref_slice %arg6[%dma_start3A_39, %dma_start3A_51, %dma_start3A_52] : memref<4x128x128xf32, #tpu.memory_space<vmem>> -> memref<1x128x128xf32, #tpu.memory_space<vmem>>
    %dma_start3A_54 = tpu.memref_squeeze %dma_start3A_53 : memref<1x128x128xf32, #tpu.memory_space<vmem>> -> memref<128x128xf32, #tpu.memory_space<vmem>>
    tpu.enqueue_dma source(%dma_start3A_54 : memref<128x128xf32, #tpu.memory_space<vmem>>) target(%dma_start3A_50 : memref<128x128xf32, #tpu.memory_space<hbm>>) target_semaphore(%arg11 : memref<!tpu.dma_semaphore, #tpu.memory_space<semaphore_mem>>)
    %dma_wait3A_55 = arith.constant 0 : i32
    %dma_wait3A_56 = arith.constant 1 : i32
    %dma_wait3A_57 = arith.constant 0 : i32
    %dma_wait3A_58 = arith.constant 0 : i32
    %dma_wait3A_59 = tpu.memref_slice %arg6[%dma_wait3A_56, %dma_wait3A_57, %dma_wait3A_58] : memref<4x128x128xf32, #tpu.memory_space<vmem>> -> memref<1x128x128xf32, #tpu.memory_space<vmem>>
    %dma_wait3A_60 = tpu.memref_squeeze %dma_wait3A_59 : memref<1x128x128xf32, #tpu.memory_space<vmem>> -> memref<128x128xf32, #tpu.memory_space<vmem>>
    %dma_wait3A_61 = arith.constant 128 : i32
    %dma_wait3A_62 = tpu.memref_slice %arg5[%dma_wait3A_55, %dma_wait3A_61] : memref<26x512xi32, #tpu.memory_space<vmem>> -> memref<1x128xi32, #tpu.memory_space<vmem>>
    %dma_wait3A_63 = tpu.memref_squeeze %dma_wait3A_62 : memref<1x128xi32, #tpu.memory_space<vmem>> -> memref<128xi32, #tpu.memory_space<vmem>>
    %dma_wait3A_64 = arith.constant 0 : i32
    %dma_wait3A_65 = arith.constant 0 : i32
    %dma_wait3A_66 = tpu.memref_slice %arg2[%dma_wait3A_64, %dma_wait3A_65] : memref<1000x128xf32, #tpu.memory_space<hbm>> -> memref<1000x128xf32, #tpu.memory_space<hbm>>
    tpu.wait_indirect_dma semaphore(%arg8 : memref<!tpu.dma_semaphore, #tpu.memory_space<semaphore_mem>>) src(%dma_wait3A_66 : memref<1000x128xf32, #tpu.memory_space<hbm>>) dst(%dma_wait3A_60 : memref<128x128xf32, #tpu.memory_space<vmem>>)
    %dma_start3A_67 = arith.constant 0 : i32
    %dma_start3A_68 = arith.constant 2 : i32
    %dma_start3A_69 = arith.constant 0 : i32
    %dma_start3A_70 = arith.constant 0 : i32
    %dma_start3A_71 = tpu.memref_slice %arg6[%dma_start3A_68, %dma_start3A_69, %dma_start3A_70] : memref<4x128x128xf32, #tpu.memory_space<vmem>> -> memref<1x128x128xf32, #tpu.memory_space<vmem>>
    %dma_start3A_72 = tpu.memref_squeeze %dma_start3A_71 : memref<1x128x128xf32, #tpu.memory_space<vmem>> -> memref<128x128xf32, #tpu.memory_space<vmem>>
    %dma_start3A_73 = arith.constant 256 : i32
    %dma_start3A_74 = tpu.memref_slice %arg5[%dma_start3A_67, %dma_start3A_73] : memref<26x512xi32, #tpu.memory_space<vmem>> -> memref<1x128xi32, #tpu.memory_space<vmem>>
    %dma_start3A_75 = tpu.memref_squeeze %dma_start3A_74 : memref<1x128xi32, #tpu.memory_space<vmem>> -> memref<128xi32, #tpu.memory_space<vmem>>
    %dma_start3A_76 = arith.constant 0 : i32
    %dma_start3A_77 = arith.constant 0 : i32
    %dma_start3A_78 = tpu.memref_slice %arg2[%dma_start3A_76, %dma_start3A_77] : memref<1000x128xf32, #tpu.memory_space<hbm>> -> memref<1000x128xf32, #tpu.memory_space<hbm>>
    tpu.enqueue_indirect_dma source(%dma_start3A_78 : memref<1000x128xf32, #tpu.memory_space<hbm>>) target(%dma_start3A_72 : memref<128x128xf32, #tpu.memory_space<vmem>>) offsets(%dma_start3A_75 : memref<128xi32, #tpu.memory_space<vmem>>) semaphore(%arg9 : memref<!tpu.dma_semaphore, #tpu.memory_space<semaphore_mem>>)
    %add3A_79 = arith.constant 128 : i32
    %add3A_80 = arith.addi %mul3A_2, %add3A_79 : i32
    %dma_start3A_81 = arith.constant 1 : i32
    %dma_start3A_82 = arith.constant 0 : i32
    %dma_start3A_83 = arith.constant 0 : i32
    %dma_start3A_84 = arith.constant 0 : i32
    %dma_start3A_85 = tpu.memref_slice %arg6[%dma_start3A_81, %dma_start3A_83, %dma_start3A_84] : memref<4x128x128xf32, #tpu.memory_space<vmem>> -> memref<1x128x128xf32, #tpu.memory_space<vmem>>
    %dma_start3A_86 = tpu.memref_squeeze %dma_start3A_85 : memref<1x128x128xf32, #tpu.memory_space<vmem>> -> memref<128x128xf32, #tpu.memory_space<vmem>>
    %dma_start3A_87 = arith.constant 0 : i32
    %dma_start3A_88 = tpu.memref_slice %arg4[%dma_start3A_82, %add3A_80, %dma_start3A_87] : memref<26x16384x128xf32, #tpu.memory_space<hbm>> -> memref<1x128x128xf32, #tpu.memory_space<hbm>>
    %dma_start3A_89 = tpu.memref_squeeze %dma_start3A_88 : memref<1x128x128xf32, #tpu.memory_space<hbm>> -> memref<128x128xf32, #tpu.memory_space<hbm>>
    %dma_start3A_90 = arith.constant 0 : i32
    %dma_start3A_91 = tpu.memref_slice %arg4[%dma_start3A_82, %add3A_80, %dma_start3A_90] : memref<26x16384x128xf32, #tpu.memory_space<hbm>> -> memref<1x128x128xf32, #tpu.memory_space<hbm>>
    %dma_start3A_92 = tpu.memref_squeeze %dma_start3A_91 : memref<1x128x128xf32, #tpu.memory_space<hbm>> -> memref<128x128xf32, #tpu.memory_space<hbm>>
    %dma_start3A_93 = arith.constant 0 : i32
    %dma_start3A_94 = arith.constant 0 : i32
    %dma_start3A_95 = tpu.memref_slice %arg6[%dma_start3A_81, %dma_start3A_93, %dma_start3A_94] : memref<4x128x128xf32, #tpu.memory_space<vmem>> -> memref<1x128x128xf32, #tpu.memory_space<vmem>>
    %dma_start3A_96 = tpu.memref_squeeze %dma_start3A_95 : memref<1x128x128xf32, #tpu.memory_space<vmem>> -> memref<128x128xf32, #tpu.memory_space<vmem>>
    tpu.enqueue_dma source(%dma_start3A_96 : memref<128x128xf32, #tpu.memory_space<vmem>>) target(%dma_start3A_92 : memref<128x128xf32, #tpu.memory_space<hbm>>) target_semaphore(%arg12 : memref<!tpu.dma_semaphore, #tpu.memory_space<semaphore_mem>>)
    %dma_wait3A_97 = arith.constant 0 : i32
    %dma_wait3A_98 = arith.constant 2 : i32
    %dma_wait3A_99 = arith.constant 0 : i32
    %dma_wait3A_100 = arith.constant 0 : i32
    %dma_wait3A_101 = tpu.memref_slice %arg6[%dma_wait3A_98, %dma_wait3A_99, %dma_wait3A_100] : memref<4x128x128xf32, #tpu.memory_space<vmem>> -> memref<1x128x128xf32, #tpu.memory_space<vmem>>
    %dma_wait3A_102 = tpu.memref_squeeze %dma_wait3A_101 : memref<1x128x128xf32, #tpu.memory_space<vmem>> -> memref<128x128xf32, #tpu.memory_space<vmem>>
    %dma_wait3A_103 = arith.constant 256 : i32
    %dma_wait3A_104 = tpu.memref_slice %arg5[%dma_wait3A_97, %dma_wait3A_103] : memref<26x512xi32, #tpu.memory_space<vmem>> -> memref<1x128xi32, #tpu.memory_space<vmem>>
    %dma_wait3A_105 = tpu.memref_squeeze %dma_wait3A_104 : memref<1x128xi32, #tpu.memory_space<vmem>> -> memref<128xi32, #tpu.memory_space<vmem>>
    %dma_wait3A_106 = arith.constant 0 : i32
    %dma_wait3A_107 = arith.constant 0 : i32
    %dma_wait3A_108 = tpu.memref_slice %arg2[%dma_wait3A_106, %dma_wait3A_107] : memref<1000x128xf32, #tpu.memory_space<hbm>> -> memref<1000x128xf32, #tpu.memory_space<hbm>>
    tpu.wait_indirect_dma semaphore(%arg9 : memref<!tpu.dma_semaphore, #tpu.memory_space<semaphore_mem>>) src(%dma_wait3A_108 : memref<1000x128xf32, #tpu.memory_space<hbm>>) dst(%dma_wait3A_102 : memref<128x128xf32, #tpu.memory_space<vmem>>)
    %dma_start3A_109 = arith.constant 0 : i32
    %dma_start3A_110 = arith.constant 3 : i32
    %dma_start3A_111 = arith.constant 0 : i32
    %dma_start3A_112 = arith.constant 0 : i32
    %dma_start3A_113 = tpu.memref_slice %arg6[%dma_start3A_110, %dma_start3A_111, %dma_start3A_112] : memref<4x128x128xf32, #tpu.memory_space<vmem>> -> memref<1x128x128xf32, #tpu.memory_space<vmem>>
    %dma_start3A_114 = tpu.memref_squeeze %dma_start3A_113 : memref<1x128x128xf32, #tpu.memory_space<vmem>> -> memref<128x128xf32, #tpu.memory_space<vmem>>
    %dma_start3A_115 = arith.constant 384 : i32
    %dma_start3A_116 = tpu.memref_slice %arg5[%dma_start3A_109, %dma_start3A_115] : memref<26x512xi32, #tpu.memory_space<vmem>> -> memref<1x128xi32, #tpu.memory_space<vmem>>
    %dma_start3A_117 = tpu.memref_squeeze %dma_start3A_116 : memref<1x128xi32, #tpu.memory_space<vmem>> -> memref<128xi32, #tpu.memory_space<vmem>>
    %dma_start3A_118 = arith.constant 0 : i32
    %dma_start3A_119 = arith.constant 0 : i32
    %dma_start3A_120 = tpu.memref_slice %arg2[%dma_start3A_118, %dma_start3A_119] : memref<1000x128xf32, #tpu.memory_space<hbm>> -> memref<1000x128xf32, #tpu.memory_space<hbm>>
    tpu.enqueue_indirect_dma source(%dma_start3A_120 : memref<1000x128xf32, #tpu.memory_space<hbm>>) target(%dma_start3A_114 : memref<128x128xf32, #tpu.memory_space<vmem>>) offsets(%dma_start3A_117 : memref<128xi32, #tpu.memory_space<vmem>>) semaphore(%arg10 : memref<!tpu.dma_semaphore, #tpu.memory_space<semaphore_mem>>)
    %add3A_121 = arith.constant 256 : i32
    %add3A_122 = arith.addi %mul3A_2, %add3A_121 : i32
    %dma_start3A_123 = arith.constant 2 : i32
    %dma_start3A_124 = arith.constant 0 : i32
    %dma_start3A_125 = arith.constant 0 : i32
    %dma_start3A_126 = arith.constant 0 : i32
    %dma_start3A_127 = tpu.memref_slice %arg6[%dma_start3A_123, %dma_start3A_125, %dma_start3A_126] : memref<4x128x128xf32, #tpu.memory_space<vmem>> -> memref<1x128x128xf32, #tpu.memory_space<vmem>>
    %dma_start3A_128 = tpu.memref_squeeze %dma_start3A_127 : memref<1x128x128xf32, #tpu.memory_space<vmem>> -> memref<128x128xf32, #tpu.memory_space<vmem>>
    %dma_start3A_129 = arith.constant 0 : i32
    %dma_start3A_130 = tpu.memref_slice %arg4[%dma_start3A_124, %add3A_122, %dma_start3A_129] : memref<26x16384x128xf32, #tpu.memory_space<hbm>> -> memref<1x128x128xf32, #tpu.memory_space<hbm>>
    %dma_start3A_131 = tpu.memref_squeeze %dma_start3A_130 : memref<1x128x128xf32, #tpu.memory_space<hbm>> -> memref<128x128xf32, #tpu.memory_space<hbm>>
    %dma_start3A_132 = arith.constant 0 : i32
    %dma_start3A_133 = tpu.memref_slice %arg4[%dma_start3A_124, %add3A_122, %dma_start3A_132] : memref<26x16384x128xf32, #tpu.memory_space<hbm>> -> memref<1x128x128xf32, #tpu.memory_space<hbm>>
    %dma_start3A_134 = tpu.memref_squeeze %dma_start3A_133 : memref<1x128x128xf32, #tpu.memory_space<hbm>> -> memref<128x128xf32, #tpu.memory_space<hbm>>
    %dma_start3A_135 = arith.constant 0 : i32
    %dma_start3A_136 = arith.constant 0 : i32
    %dma_start3A_137 = tpu.memref_slice %arg6[%dma_start3A_123, %dma_start3A_135, %dma_start3A_136] : memref<4x128x128xf32, #tpu.memory_space<vmem>> -> memref<1x128x128xf32, #tpu.memory_space<vmem>>
    %dma_start3A_138 = tpu.memref_squeeze %dma_start3A_137 : memref<1x128x128xf32, #tpu.memory_space<vmem>> -> memref<128x128xf32, #tpu.memory_space<vmem>>
    tpu.enqueue_dma source(%dma_start3A_138 : memref<128x128xf32, #tpu.memory_space<vmem>>) target(%dma_start3A_134 : memref<128x128xf32, #tpu.memory_space<hbm>>) target_semaphore(%arg13 : memref<!tpu.dma_semaphore, #tpu.memory_space<semaphore_mem>>)
    %dma_wait3A_139 = arith.constant 0 : i32
    %dma_wait3A_140 = arith.constant 3 : i32
    %dma_wait3A_141 = arith.constant 0 : i32
    %dma_wait3A_142 = arith.constant 0 : i32
    %dma_wait3A_143 = tpu.memref_slice %arg6[%dma_wait3A_140, %dma_wait3A_141, %dma_wait3A_142] : memref<4x128x128xf32, #tpu.memory_space<vmem>> -> memref<1x128x128xf32, #tpu.memory_space<vmem>>
    %dma_wait3A_144 = tpu.memref_squeeze %dma_wait3A_143 : memref<1x128x128xf32, #tpu.memory_space<vmem>> -> memref<128x128xf32, #tpu.memory_space<vmem>>
    %dma_wait3A_145 = arith.constant 384 : i32
    %dma_wait3A_146 = tpu.memref_slice %arg5[%dma_wait3A_139, %dma_wait3A_145] : memref<26x512xi32, #tpu.memory_space<vmem>> -> memref<1x128xi32, #tpu.memory_space<vmem>>
    %dma_wait3A_147 = tpu.memref_squeeze %dma_wait3A_146 : memref<1x128xi32, #tpu.memory_space<vmem>> -> memref<128xi32, #tpu.memory_space<vmem>>
    %dma_wait3A_148 = arith.constant 0 : i32
    %dma_wait3A_149 = arith.constant 0 : i32
    %dma_wait3A_150 = tpu.memref_slice %arg2[%dma_wait3A_148, %dma_wait3A_149] : memref<1000x128xf32, #tpu.memory_space<hbm>> -> memref<1000x128xf32, #tpu.memory_space<hbm>>
    tpu.wait_indirect_dma semaphore(%arg10 : memref<!tpu.dma_semaphore, #tpu.memory_space<semaphore_mem>>) src(%dma_wait3A_150 : memref<1000x128xf32, #tpu.memory_space<hbm>>) dst(%dma_wait3A_144 : memref<128x128xf32, #tpu.memory_space<vmem>>)
    %add3A_151 = arith.constant 0 : i32
    %add3A_152 = arith.addi %mul3A_2, %add3A_151 : i32
    %dma_wait3A_153 = arith.constant 0 : i32
    %dma_wait3A_154 = arith.constant 0 : i32
    %dma_wait3A_155 = arith.constant 0 : i32
    %dma_wait3A_156 = arith.constant 0 : i32
    %dma_wait3A_157 = tpu.memref_slice %arg6[%dma_wait3A_153, %dma_wait3A_155, %dma_wait3A_156] : memref<4x128x128xf32, #tpu.memory_space<vmem>> -> memref<1x128x128xf32, #tpu.memory_space<vmem>>
    %dma_wait3A_158 = tpu.memref_squeeze %dma_wait3A_157 : memref<1x128x128xf32, #tpu.memory_space<vmem>> -> memref<128x128xf32, #tpu.memory_space<vmem>>
    %dma_wait3A_159 = arith.constant 0 : i32
    %dma_wait3A_160 = tpu.memref_slice %arg4[%dma_wait3A_154, %add3A_152, %dma_wait3A_159] : memref<26x16384x128xf32, #tpu.memory_space<hbm>> -> memref<1x128x128xf32, #tpu.memory_space<hbm>>
    %dma_wait3A_161 = tpu.memref_squeeze %dma_wait3A_160 : memref<1x128x128xf32, #tpu.memory_space<hbm>> -> memref<128x128xf32, #tpu.memory_space<hbm>>
    %dma_wait3A_162 = arith.constant 0 : i32
    %dma_wait3A_163 = tpu.memref_slice %arg4[%dma_wait3A_154, %add3A_152, %dma_wait3A_162] : memref<26x16384x128xf32, #tpu.memory_space<hbm>> -> memref<1x128x128xf32, #tpu.memory_space<hbm>>
    %dma_wait3A_164 = tpu.memref_squeeze %dma_wait3A_163 : memref<1x128x128xf32, #tpu.memory_space<hbm>> -> memref<128x128xf32, #tpu.memory_space<hbm>>
    %dma_wait3A_165 = arith.constant 0 : i32
    %dma_wait3A_166 = arith.constant 0 : i32
    %dma_wait3A_167 = tpu.memref_slice %arg6[%dma_wait3A_153, %dma_wait3A_165, %dma_wait3A_166] : memref<4x128x128xf32, #tpu.memory_space<vmem>> -> memref<1x128x128xf32, #tpu.memory_space<vmem>>
    %dma_wait3A_168 = tpu.memref_squeeze %dma_wait3A_167 : memref<1x128x128xf32, #tpu.memory_space<vmem>> -> memref<128x128xf32, #tpu.memory_space<vmem>>
    tpu.wait_dma2 semaphore(%arg11 : memref<!tpu.dma_semaphore, #tpu.memory_space<semaphore_mem>>) src(%dma_wait3A_168 : memref<128x128xf32, #tpu.memory_space<vmem>>) dst(%dma_wait3A_164 : memref<128x128xf32, #tpu.memory_space<hbm>>)
    %dma_start3A_169 = arith.constant 1 : i32
    %dma_start3A_170 = arith.constant 0 : i32
    %dma_start3A_171 = arith.constant 0 : i32
    %dma_start3A_172 = arith.constant 0 : i32
    %dma_start3A_173 = tpu.memref_slice %arg6[%dma_start3A_170, %dma_start3A_171, %dma_start3A_172] : memref<4x128x128xf32, #tpu.memory_space<vmem>> -> memref<1x128x128xf32, #tpu.memory_space<vmem>>
    %dma_start3A_174 = tpu.memref_squeeze %dma_start3A_173 : memref<1x128x128xf32, #tpu.memory_space<vmem>> -> memref<128x128xf32, #tpu.memory_space<vmem>>
    %dma_start3A_175 = arith.constant 0 : i32
    %dma_start3A_176 = tpu.memref_slice %arg5[%dma_start3A_169, %dma_start3A_175] : memref<26x512xi32, #tpu.memory_space<vmem>> -> memref<1x128xi32, #tpu.memory_space<vmem>>
    %dma_start3A_177 = tpu.memref_squeeze %dma_start3A_176 : memref<1x128xi32, #tpu.memory_space<vmem>> -> memref<128xi32, #tpu.memory_space<vmem>>
    %dma_start3A_178 = arith.constant 0 : i32
    %dma_start3A_179 = arith.constant 0 : i32
    %dma_start3A_180 = tpu.memref_slice %arg2[%dma_start3A_178, %dma_start3A_179] : memref<1000x128xf32, #tpu.memory_space<hbm>> -> memref<1000x128xf32, #tpu.memory_space<hbm>>
    tpu.enqueue_indirect_dma source(%dma_start3A_180 : memref<1000x128xf32, #tpu.memory_space<hbm>>) target(%dma_start3A_174 : memref<128x128xf32, #tpu.memory_space<vmem>>) offsets(%dma_start3A_177 : memref<128xi32, #tpu.memory_space<vmem>>) semaphore(%arg7 : memref<!tpu.dma_semaphore, #tpu.memory_space<semaphore_mem>>)
    %add3A_181 = arith.constant 384 : i32
    %add3A_182 = arith.addi %mul3A_2, %add3A_181 : i32
    %dma_start3A_183 = arith.constant 3 : i32
    %dma_start3A_184 = arith.constant 0 : i32
    %dma_start3A_185 = arith.constant 0 : i32
    %dma_start3A_186 = arith.constant 0 : i32
    %dma_start3A_187 = tpu.memref_slice %arg6[%dma_start3A_183, %dma_start3A_185, %dma_start3A_186] : memref<4x128x128xf32, #tpu.memory_space<vmem>> -> memref<1x128x128xf32, #tpu.memory_space<vmem>>
    %dma_start3A_188 = tpu.memref_squeeze %dma_start3A_187 : memref<1x128x128xf32, #tpu.memory_space<vmem>> -> memref<128x128xf32, #tpu.memory_space<vmem>>
    %dma_start3A_189 = arith.constant 0 : i32
    %dma_start3A_190 = tpu.memref_slice %arg4[%dma_start3A_184, %add3A_182, %dma_start3A_189] : memref<26x16384x128xf32, #tpu.memory_space<hbm>> -> memref<1x128x128xf32, #tpu.memory_space<hbm>>
    %dma_start3A_191 = tpu.memref_squeeze %dma_start3A_190 : memref<1x128x128xf32, #tpu.memory_space<hbm>> -> memref<128x128xf32, #tpu.memory_space<hbm>>
    %dma_start3A_192 = arith.constant 0 : i32
    %dma_start3A_193 = tpu.memref_slice %arg4[%dma_start3A_184, %add3A_182, %dma_start3A_192] : memref<26x16384x128xf32, #tpu.memory_space<hbm>> -> memref<1x128x128xf32, #tpu.memory_space<hbm>>
    %dma_start3A_194 = tpu.memref_squeeze %dma_start3A_193 : memref<1x128x128xf32, #tpu.memory_space<hbm>> -> memref<128x128xf32, #tpu.memory_space<hbm>>
    %dma_start3A_195 = arith.constant 0 : i32
    %dma_start3A_196 = arith.constant 0 : i32
    %dma_start3A_197 = tpu.memref_slice %arg6[%dma_start3A_183, %dma_start3A_195, %dma_start3A_196] : memref<4x128x128xf32, #tpu.memory_space<vmem>> -> memref<1x128x128xf32, #tpu.memory_space<vmem>>
    %dma_start3A_198 = tpu.memref_squeeze %dma_start3A_197 : memref<1x128x128xf32, #tpu.memory_space<vmem>> -> memref<128x128xf32, #tpu.memory_space<vmem>>
    tpu.enqueue_dma source(%dma_start3A_198 : memref<128x128xf32, #tpu.memory_space<vmem>>) target(%dma_start3A_194 : memref<128x128xf32, #tpu.memory_space<hbm>>) target_semaphore(%arg14 : memref<!tpu.dma_semaphore, #tpu.memory_space<semaphore_mem>>)
    %scan3A = arith.constant 0 : i32
    %scan3A_199 = arith.constant 1 : i32
    %scan3A_200 = arith.constant 24 : i32
    %scan3A_201 = arith.addi %scan3A_199, %scan3A_200 : i32
    %scan3A_202 = arith.constant 1 : i32
    %scan3A_203 = scf.for %scan3A_487 = %scan3A_199 to %scan3A_201 step %scan3A_202 iter_args(%scan3A_488 = %scan3A) -> (i32)  : i32 {
      %mul3A_489 = arith.constant 4 : i32
      %mul3A_490 = arith.muli %mul3A_489, %scan3A_487 : i32
      %add3A_491 = arith.constant 0 : i32
      %add3A_492 = arith.addi %mul3A_490, %add3A_491 : i32
      %jit3A = arith.constant 4 : i32
      %div3A = arith.divsi %add3A_492, %jit3A : i32
      %sign3A = arith.constant 0 : i32
      %sign3A_493 = arith.cmpi sgt, %add3A_492, %sign3A : i32
      %sign3A_494 = arith.extui %sign3A_493 : i1 to i32
      %sign3A_495 = arith.constant 0 : i32
      %sign3A_496 = arith.cmpi slt, %add3A_492, %sign3A_495 : i32
      %sign3A_497 = arith.extui %sign3A_496 : i1 to i32
      %sign3A_498 = arith.subi %sign3A_494, %sign3A_497 : i32
      %sign3A_499 = arith.constant 0 : i32
      %sign3A_500 = arith.cmpi sgt, %jit3A, %sign3A_499 : i32
      %sign3A_501 = arith.extui %sign3A_500 : i1 to i32
      %sign3A_502 = arith.constant 0 : i32
      %sign3A_503 = arith.cmpi slt, %jit3A, %sign3A_502 : i32
      %sign3A_504 = arith.extui %sign3A_503 : i1 to i32
      %sign3A_505 = arith.subi %sign3A_501, %sign3A_504 : i32
      %ne3A = arith.cmpi ne, %sign3A_498, %sign3A_505 : i32
      %rem3A = arith.remsi %add3A_492, %jit3A : i32
      %ne3A_506 = arith.constant 0 : i32
      %ne3A_507 = arith.cmpi ne, %rem3A, %ne3A_506 : i32
      %and3A = arith.andi %ne3A, %ne3A_507 : i1
      %sub3A = arith.constant 1 : i32
      %sub3A_508 = arith.subi %div3A, %sub3A : i32
      %select_n3A = arith.select %and3A, %sub3A_508, %div3A : i32
      %jit3A_509 = arith.constant 4 : i32
      %eq3A = arith.constant 0 : i32
      %eq3A_510 = arith.cmpi eq, %jit3A_509, %eq3A : i32
      %jit3A_511 = arith.constant 1 : i32
      %select_n3A_512 = arith.select %eq3A_510, %jit3A_511, %jit3A_509 : i32
      %rem3A_513 = arith.remsi %add3A_492, %select_n3A_512 : i32
      %ne3A_514 = arith.constant 0 : i32
      %ne3A_515 = arith.cmpi ne, %rem3A_513, %ne3A_514 : i32
      %lt3A = arith.constant 0 : i32
      %lt3A_516 = arith.cmpi slt, %rem3A_513, %lt3A : i32
      %lt3A_517 = arith.constant 0 : i32
      %lt3A_518 = arith.cmpi slt, %select_n3A_512, %lt3A_517 : i32
      %ne3A_519 = arith.xori %lt3A_516, %lt3A_518 : i1
      %and3A_520 = arith.andi %ne3A_519, %ne3A_515 : i1
      %add3A_521 = arith.addi %rem3A_513, %select_n3A_512 : i32
      %select_n3A_522 = arith.select %and3A_520, %add3A_521, %rem3A_513 : i32
      %mul3A_523 = arith.constant 128 : i32
      %mul3A_524 = arith.muli %select_n3A_522, %mul3A_523 : i32
      %dma_wait3A_525 = arith.constant 0 : i32
      %dma_wait3A_526 = arith.constant 0 : i32
      %dma_wait3A_527 = arith.constant 0 : i32
      %dma_wait3A_528 = tpu.memref_slice %arg6[%dma_wait3A_525, %dma_wait3A_526, %dma_wait3A_527] : memref<4x128x128xf32, #tpu.memory_space<vmem>> -> memref<1x128x128xf32, #tpu.memory_space<vmem>>
      %dma_wait3A_529 = tpu.memref_squeeze %dma_wait3A_528 : memref<1x128x128xf32, #tpu.memory_space<vmem>> -> memref<128x128xf32, #tpu.memory_space<vmem>>
      %dma_wait3A_530 = tpu.memref_slice %arg5[%select_n3A, %mul3A_524] : memref<26x512xi32, #tpu.memory_space<vmem>> -> memref<1x128xi32, #tpu.memory_space<vmem>>
      %dma_wait3A_531 = tpu.memref_squeeze %dma_wait3A_530 : memref<1x128xi32, #tpu.memory_space<vmem>> -> memref<128xi32, #tpu.memory_space<vmem>>
      %dma_wait3A_532 = arith.constant 0 : i32
      %dma_wait3A_533 = arith.constant 0 : i32
      %dma_wait3A_534 = tpu.memref_slice %arg2[%dma_wait3A_532, %dma_wait3A_533] : memref<1000x128xf32, #tpu.memory_space<hbm>> -> memref<1000x128xf32, #tpu.memory_space<hbm>>
      tpu.wait_indirect_dma semaphore(%arg7 : memref<!tpu.dma_semaphore, #tpu.memory_space<semaphore_mem>>) src(%dma_wait3A_534 : memref<1000x128xf32, #tpu.memory_space<hbm>>) dst(%dma_wait3A_529 : memref<128x128xf32, #tpu.memory_space<vmem>>)
      %sub3A_535 = arith.constant 3 : i32
      %sub3A_536 = arith.subi %add3A_492, %sub3A_535 : i32
      %jit3A_537 = arith.constant 4 : i32
      %div3A_538 = arith.divsi %sub3A_536, %jit3A_537 : i32
      %sign3A_539 = arith.constant 0 : i32
      %sign3A_540 = arith.cmpi sgt, %sub3A_536, %sign3A_539 : i32
      %sign3A_541 = arith.extui %sign3A_540 : i1 to i32
      %sign3A_542 = arith.constant 0 : i32
      %sign3A_543 = arith.cmpi slt, %sub3A_536, %sign3A_542 : i32
      %sign3A_544 = arith.extui %sign3A_543 : i1 to i32
      %sign3A_545 = arith.subi %sign3A_541, %sign3A_544 : i32
      %sign3A_546 = arith.constant 0 : i32
      %sign3A_547 = arith.cmpi sgt, %jit3A_537, %sign3A_546 : i32
      %sign3A_548 = arith.extui %sign3A_547 : i1 to i32
      %sign3A_549 = arith.constant 0 : i32
      %sign3A_550 = arith.cmpi slt, %jit3A_537, %sign3A_549 : i32
      %sign3A_551 = arith.extui %sign3A_550 : i1 to i32
      %sign3A_552 = arith.subi %sign3A_548, %sign3A_551 : i32
      %ne3A_553 = arith.cmpi ne, %sign3A_545, %sign3A_552 : i32
      %rem3A_554 = arith.remsi %sub3A_536, %jit3A_537 : i32
      %ne3A_555 = arith.constant 0 : i32
      %ne3A_556 = arith.cmpi ne, %rem3A_554, %ne3A_555 : i32
      %and3A_557 = arith.andi %ne3A_553, %ne3A_556 : i1
      %sub3A_558 = arith.constant 1 : i32
      %sub3A_559 = arith.subi %div3A_538, %sub3A_558 : i32
      %select_n3A_560 = arith.select %and3A_557, %sub3A_559, %div3A_538 : i32
      %jit3A_561 = arith.constant 4 : i32
      %eq3A_562 = arith.constant 0 : i32
      %eq3A_563 = arith.cmpi eq, %jit3A_561, %eq3A_562 : i32
      %jit3A_564 = arith.constant 1 : i32
      %select_n3A_565 = arith.select %eq3A_563, %jit3A_564, %jit3A_561 : i32
      %rem3A_566 = arith.remsi %sub3A_536, %select_n3A_565 : i32
      %ne3A_567 = arith.constant 0 : i32
      %ne3A_568 = arith.cmpi ne, %rem3A_566, %ne3A_567 : i32
      %lt3A_569 = arith.constant 0 : i32
      %lt3A_570 = arith.cmpi slt, %rem3A_566, %lt3A_569 : i32
      %lt3A_571 = arith.constant 0 : i32
      %lt3A_572 = arith.cmpi slt, %select_n3A_565, %lt3A_571 : i32
      %ne3A_573 = arith.xori %lt3A_570, %lt3A_572 : i1
      %and3A_574 = arith.andi %ne3A_573, %ne3A_568 : i1
      %add3A_575 = arith.addi %rem3A_566, %select_n3A_565 : i32
      %select_n3A_576 = arith.select %and3A_574, %add3A_575, %rem3A_566 : i32
      %mul3A_577 = arith.constant 128 : i32
      %mul3A_578 = arith.muli %select_n3A_576, %mul3A_577 : i32
      %add3A_579 = arith.addi %mul3A_2, %mul3A_578 : i32
      %dma_wait3A_580 = arith.constant 1 : i32
      %dma_wait3A_581 = arith.constant 0 : i32
      %dma_wait3A_582 = arith.constant 0 : i32
      %dma_wait3A_583 = tpu.memref_slice %arg6[%dma_wait3A_580, %dma_wait3A_581, %dma_wait3A_582] : memref<4x128x128xf32, #tpu.memory_space<vmem>> -> memref<1x128x128xf32, #tpu.memory_space<vmem>>
      %dma_wait3A_584 = tpu.memref_squeeze %dma_wait3A_583 : memref<1x128x128xf32, #tpu.memory_space<vmem>> -> memref<128x128xf32, #tpu.memory_space<vmem>>
      %dma_wait3A_585 = arith.constant 0 : i32
      %dma_wait3A_586 = tpu.memref_slice %arg4[%select_n3A_560, %add3A_579, %dma_wait3A_585] : memref<26x16384x128xf32, #tpu.memory_space<hbm>> -> memref<1x128x128xf32, #tpu.memory_space<hbm>>
      %dma_wait3A_587 = tpu.memref_squeeze %dma_wait3A_586 : memref<1x128x128xf32, #tpu.memory_space<hbm>> -> memref<128x128xf32, #tpu.memory_space<hbm>>
      %dma_wait3A_588 = arith.constant 0 : i32
      %dma_wait3A_589 = tpu.memref_slice %arg4[%select_n3A_560, %add3A_579, %dma_wait3A_588] : memref<26x16384x128xf32, #tpu.memory_space<hbm>> -> memref<1x128x128xf32, #tpu.memory_space<hbm>>
      %dma_wait3A_590 = tpu.memref_squeeze %dma_wait3A_589 : memref<1x128x128xf32, #tpu.memory_space<hbm>> -> memref<128x128xf32, #tpu.memory_space<hbm>>
      %dma_wait3A_591 = arith.constant 0 : i32
      %dma_wait3A_592 = arith.constant 0 : i32
      %dma_wait3A_593 = tpu.memref_slice %arg6[%dma_wait3A_580, %dma_wait3A_591, %dma_wait3A_592] : memref<4x128x128xf32, #tpu.memory_space<vmem>> -> memref<1x128x128xf32, #tpu.memory_space<vmem>>
      %dma_wait3A_594 = tpu.memref_squeeze %dma_wait3A_593 : memref<1x128x128xf32, #tpu.memory_space<vmem>> -> memref<128x128xf32, #tpu.memory_space<vmem>>
      tpu.wait_dma2 semaphore(%arg12 : memref<!tpu.dma_semaphore, #tpu.memory_space<semaphore_mem>>) src(%dma_wait3A_594 : memref<128x128xf32, #tpu.memory_space<vmem>>) dst(%dma_wait3A_590 : memref<128x128xf32, #tpu.memory_space<hbm>>)
      %add3A_595 = arith.constant 1 : i32
      %add3A_596 = arith.addi %add3A_492, %add3A_595 : i32
      %jit3A_597 = arith.constant 4 : i32
      %div3A_598 = arith.divsi %add3A_596, %jit3A_597 : i32
      %sign3A_599 = arith.constant 0 : i32
      %sign3A_600 = arith.cmpi sgt, %add3A_596, %sign3A_599 : i32
      %sign3A_601 = arith.extui %sign3A_600 : i1 to i32
      %sign3A_602 = arith.constant 0 : i32
      %sign3A_603 = arith.cmpi slt, %add3A_596, %sign3A_602 : i32
      %sign3A_604 = arith.extui %sign3A_603 : i1 to i32
      %sign3A_605 = arith.subi %sign3A_601, %sign3A_604 : i32
      %sign3A_606 = arith.constant 0 : i32
      %sign3A_607 = arith.cmpi sgt, %jit3A_597, %sign3A_606 : i32
      %sign3A_608 = arith.extui %sign3A_607 : i1 to i32
      %sign3A_609 = arith.constant 0 : i32
      %sign3A_610 = arith.cmpi slt, %jit3A_597, %sign3A_609 : i32
      %sign3A_611 = arith.extui %sign3A_610 : i1 to i32
      %sign3A_612 = arith.subi %sign3A_608, %sign3A_611 : i32
      %ne3A_613 = arith.cmpi ne, %sign3A_605, %sign3A_612 : i32
      %rem3A_614 = arith.remsi %add3A_596, %jit3A_597 : i32
      %ne3A_615 = arith.constant 0 : i32
      %ne3A_616 = arith.cmpi ne, %rem3A_614, %ne3A_615 : i32
      %and3A_617 = arith.andi %ne3A_613, %ne3A_616 : i1
      %sub3A_618 = arith.constant 1 : i32
      %sub3A_619 = arith.subi %div3A_598, %sub3A_618 : i32
      %select_n3A_620 = arith.select %and3A_617, %sub3A_619, %div3A_598 : i32
      %jit3A_621 = arith.constant 4 : i32
      %eq3A_622 = arith.constant 0 : i32
      %eq3A_623 = arith.cmpi eq, %jit3A_621, %eq3A_622 : i32
      %jit3A_624 = arith.constant 1 : i32
      %select_n3A_625 = arith.select %eq3A_623, %jit3A_624, %jit3A_621 : i32
      %rem3A_626 = arith.remsi %add3A_596, %select_n3A_625 : i32
      %ne3A_627 = arith.constant 0 : i32
      %ne3A_628 = arith.cmpi ne, %rem3A_626, %ne3A_627 : i32
      %lt3A_629 = arith.constant 0 : i32
      %lt3A_630 = arith.cmpi slt, %rem3A_626, %lt3A_629 : i32
      %lt3A_631 = arith.constant 0 : i32
      %lt3A_632 = arith.cmpi slt, %select_n3A_625, %lt3A_631 : i32
      %ne3A_633 = arith.xori %lt3A_630, %lt3A_632 : i1
      %and3A_634 = arith.andi %ne3A_633, %ne3A_628 : i1
      %add3A_635 = arith.addi %rem3A_626, %select_n3A_625 : i32
      %select_n3A_636 = arith.select %and3A_634, %add3A_635, %rem3A_626 : i32
      %mul3A_637 = arith.constant 128 : i32
      %mul3A_638 = arith.muli %select_n3A_636, %mul3A_637 : i32
      %dma_start3A_639 = arith.constant 1 : i32
      %dma_start3A_640 = arith.constant 0 : i32
      %dma_start3A_641 = arith.constant 0 : i32
      %dma_start3A_642 = tpu.memref_slice %arg6[%dma_start3A_639, %dma_start3A_640, %dma_start3A_641] : memref<4x128x128xf32, #tpu.memory_space<vmem>> -> memref<1x128x128xf32, #tpu.memory_space<vmem>>
      %dma_start3A_643 = tpu.memref_squeeze %dma_start3A_642 : memref<1x128x128xf32, #tpu.memory_space<vmem>> -> memref<128x128xf32, #tpu.memory_space<vmem>>
      %dma_start3A_644 = tpu.memref_slice %arg5[%select_n3A_620, %mul3A_638] : memref<26x512xi32, #tpu.memory_space<vmem>> -> memref<1x128xi32, #tpu.memory_space<vmem>>
      %dma_start3A_645 = tpu.memref_squeeze %dma_start3A_644 : memref<1x128xi32, #tpu.memory_space<vmem>> -> memref<128xi32, #tpu.memory_space<vmem>>
      %dma_start3A_646 = arith.constant 0 : i32
      %dma_start3A_647 = arith.constant 0 : i32
      %dma_start3A_648 = tpu.memref_slice %arg2[%dma_start3A_646, %dma_start3A_647] : memref<1000x128xf32, #tpu.memory_space<hbm>> -> memref<1000x128xf32, #tpu.memory_space<hbm>>
      tpu.enqueue_indirect_dma source(%dma_start3A_648 : memref<1000x128xf32, #tpu.memory_space<hbm>>) target(%dma_start3A_643 : memref<128x128xf32, #tpu.memory_space<vmem>>) offsets(%dma_start3A_645 : memref<128xi32, #tpu.memory_space<vmem>>) semaphore(%arg8 : memref<!tpu.dma_semaphore, #tpu.memory_space<semaphore_mem>>)
      %jit3A_649 = arith.constant 4 : i32
      %div3A_650 = arith.divsi %add3A_492, %jit3A_649 : i32
      %sign3A_651 = arith.constant 0 : i32
      %sign3A_652 = arith.cmpi sgt, %add3A_492, %sign3A_651 : i32
      %sign3A_653 = arith.extui %sign3A_652 : i1 to i32
      %sign3A_654 = arith.constant 0 : i32
      %sign3A_655 = arith.cmpi slt, %add3A_492, %sign3A_654 : i32
      %sign3A_656 = arith.extui %sign3A_655 : i1 to i32
      %sign3A_657 = arith.subi %sign3A_653, %sign3A_656 : i32
      %sign3A_658 = arith.constant 0 : i32
      %sign3A_659 = arith.cmpi sgt, %jit3A_649, %sign3A_658 : i32
      %sign3A_660 = arith.extui %sign3A_659 : i1 to i32
      %sign3A_661 = arith.constant 0 : i32
      %sign3A_662 = arith.cmpi slt, %jit3A_649, %sign3A_661 : i32
      %sign3A_663 = arith.extui %sign3A_662 : i1 to i32
      %sign3A_664 = arith.subi %sign3A_660, %sign3A_663 : i32
      %ne3A_665 = arith.cmpi ne, %sign3A_657, %sign3A_664 : i32
      %rem3A_666 = arith.remsi %add3A_492, %jit3A_649 : i32
      %ne3A_667 = arith.constant 0 : i32
      %ne3A_668 = arith.cmpi ne, %rem3A_666, %ne3A_667 : i32
      %and3A_669 = arith.andi %ne3A_665, %ne3A_668 : i1
      %sub3A_670 = arith.constant 1 : i32
      %sub3A_671 = arith.subi %div3A_650, %sub3A_670 : i32
      %select_n3A_672 = arith.select %and3A_669, %sub3A_671, %div3A_650 : i32
      %jit3A_673 = arith.constant 4 : i32
      %eq3A_674 = arith.constant 0 : i32
      %eq3A_675 = arith.cmpi eq, %jit3A_673, %eq3A_674 : i32
      %jit3A_676 = arith.constant 1 : i32
      %select_n3A_677 = arith.select %eq3A_675, %jit3A_676, %jit3A_673 : i32
      %rem3A_678 = arith.remsi %add3A_492, %select_n3A_677 : i32
      %ne3A_679 = arith.constant 0 : i32
      %ne3A_680 = arith.cmpi ne, %rem3A_678, %ne3A_679 : i32
      %lt3A_681 = arith.constant 0 : i32
      %lt3A_682 = arith.cmpi slt, %rem3A_678, %lt3A_681 : i32
      %lt3A_683 = arith.constant 0 : i32
      %lt3A_684 = arith.cmpi slt, %select_n3A_677, %lt3A_683 : i32
      %ne3A_685 = arith.xori %lt3A_682, %lt3A_684 : i1
      %and3A_686 = arith.andi %ne3A_685, %ne3A_680 : i1
      %add3A_687 = arith.addi %rem3A_678, %select_n3A_677 : i32
      %select_n3A_688 = arith.select %and3A_686, %add3A_687, %rem3A_678 : i32
      %mul3A_689 = arith.constant 128 : i32
      %mul3A_690 = arith.muli %select_n3A_688, %mul3A_689 : i32
      %add3A_691 = arith.addi %mul3A_2, %mul3A_690 : i32
      %dma_start3A_692 = arith.constant 0 : i32
      %dma_start3A_693 = arith.constant 0 : i32
      %dma_start3A_694 = arith.constant 0 : i32
      %dma_start3A_695 = tpu.memref_slice %arg6[%dma_start3A_692, %dma_start3A_693, %dma_start3A_694] : memref<4x128x128xf32, #tpu.memory_space<vmem>> -> memref<1x128x128xf32, #tpu.memory_space<vmem>>
      %dma_start3A_696 = tpu.memref_squeeze %dma_start3A_695 : memref<1x128x128xf32, #tpu.memory_space<vmem>> -> memref<128x128xf32, #tpu.memory_space<vmem>>
      %dma_start3A_697 = arith.constant 0 : i32
      %dma_start3A_698 = tpu.memref_slice %arg4[%select_n3A_672, %add3A_691, %dma_start3A_697] : memref<26x16384x128xf32, #tpu.memory_space<hbm>> -> memref<1x128x128xf32, #tpu.memory_space<hbm>>
      %dma_start3A_699 = tpu.memref_squeeze %dma_start3A_698 : memref<1x128x128xf32, #tpu.memory_space<hbm>> -> memref<128x128xf32, #tpu.memory_space<hbm>>
      %dma_start3A_700 = arith.constant 0 : i32
      %dma_start3A_701 = tpu.memref_slice %arg4[%select_n3A_672, %add3A_691, %dma_start3A_700] : memref<26x16384x128xf32, #tpu.memory_space<hbm>> -> memref<1x128x128xf32, #tpu.memory_space<hbm>>
      %dma_start3A_702 = tpu.memref_squeeze %dma_start3A_701 : memref<1x128x128xf32, #tpu.memory_space<hbm>> -> memref<128x128xf32, #tpu.memory_space<hbm>>
      %dma_start3A_703 = arith.constant 0 : i32
      %dma_start3A_704 = arith.constant 0 : i32
      %dma_start3A_705 = tpu.memref_slice %arg6[%dma_start3A_692, %dma_start3A_703, %dma_start3A_704] : memref<4x128x128xf32, #tpu.memory_space<vmem>> -> memref<1x128x128xf32, #tpu.memory_space<vmem>>
      %dma_start3A_706 = tpu.memref_squeeze %dma_start3A_705 : memref<1x128x128xf32, #tpu.memory_space<vmem>> -> memref<128x128xf32, #tpu.memory_space<vmem>>
      tpu.enqueue_dma source(%dma_start3A_706 : memref<128x128xf32, #tpu.memory_space<vmem>>) target(%dma_start3A_702 : memref<128x128xf32, #tpu.memory_space<hbm>>) target_semaphore(%arg11 : memref<!tpu.dma_semaphore, #tpu.memory_space<semaphore_mem>>)
      %add3A_707 = arith.constant 1 : i32
      %add3A_708 = arith.addi %mul3A_490, %add3A_707 : i32
      %jit3A_709 = arith.constant 4 : i32
      %div3A_710 = arith.divsi %add3A_708, %jit3A_709 : i32
      %sign3A_711 = arith.constant 0 : i32
      %sign3A_712 = arith.cmpi sgt, %add3A_708, %sign3A_711 : i32
      %sign3A_713 = arith.extui %sign3A_712 : i1 to i32
      %sign3A_714 = arith.constant 0 : i32
      %sign3A_715 = arith.cmpi slt, %add3A_708, %sign3A_714 : i32
      %sign3A_716 = arith.extui %sign3A_715 : i1 to i32
      %sign3A_717 = arith.subi %sign3A_713, %sign3A_716 : i32
      %sign3A_718 = arith.constant 0 : i32
      %sign3A_719 = arith.cmpi sgt, %jit3A_709, %sign3A_718 : i32
      %sign3A_720 = arith.extui %sign3A_719 : i1 to i32
      %sign3A_721 = arith.constant 0 : i32
      %sign3A_722 = arith.cmpi slt, %jit3A_709, %sign3A_721 : i32
      %sign3A_723 = arith.extui %sign3A_722 : i1 to i32
      %sign3A_724 = arith.subi %sign3A_720, %sign3A_723 : i32
      %ne3A_725 = arith.cmpi ne, %sign3A_717, %sign3A_724 : i32
      %rem3A_726 = arith.remsi %add3A_708, %jit3A_709 : i32
      %ne3A_727 = arith.constant 0 : i32
      %ne3A_728 = arith.cmpi ne, %rem3A_726, %ne3A_727 : i32
      %and3A_729 = arith.andi %ne3A_725, %ne3A_728 : i1
      %sub3A_730 = arith.constant 1 : i32
      %sub3A_731 = arith.subi %div3A_710, %sub3A_730 : i32
      %select_n3A_732 = arith.select %and3A_729, %sub3A_731, %div3A_710 : i32
      %jit3A_733 = arith.constant 4 : i32
      %eq3A_734 = arith.constant 0 : i32
      %eq3A_735 = arith.cmpi eq, %jit3A_733, %eq3A_734 : i32
      %jit3A_736 = arith.constant 1 : i32
      %select_n3A_737 = arith.select %eq3A_735, %jit3A_736, %jit3A_733 : i32
      %rem3A_738 = arith.remsi %add3A_708, %select_n3A_737 : i32
      %ne3A_739 = arith.constant 0 : i32
      %ne3A_740 = arith.cmpi ne, %rem3A_738, %ne3A_739 : i32
      %lt3A_741 = arith.constant 0 : i32
      %lt3A_742 = arith.cmpi slt, %rem3A_738, %lt3A_741 : i32
      %lt3A_743 = arith.constant 0 : i32
      %lt3A_744 = arith.cmpi slt, %select_n3A_737, %lt3A_743 : i32
      %ne3A_745 = arith.xori %lt3A_742, %lt3A_744 : i1
      %and3A_746 = arith.andi %ne3A_745, %ne3A_740 : i1
      %add3A_747 = arith.addi %rem3A_738, %select_n3A_737 : i32
      %select_n3A_748 = arith.select %and3A_746, %add3A_747, %rem3A_738 : i32
      %mul3A_749 = arith.constant 128 : i32
      %mul3A_750 = arith.muli %select_n3A_748, %mul3A_749 : i32
      %dma_wait3A_751 = arith.constant 1 : i32
      %dma_wait3A_752 = arith.constant 0 : i32
      %dma_wait3A_753 = arith.constant 0 : i32
      %dma_wait3A_754 = tpu.memref_slice %arg6[%dma_wait3A_751, %dma_wait3A_752, %dma_wait3A_753] : memref<4x128x128xf32, #tpu.memory_space<vmem>> -> memref<1x128x128xf32, #tpu.memory_space<vmem>>
      %dma_wait3A_755 = tpu.memref_squeeze %dma_wait3A_754 : memref<1x128x128xf32, #tpu.memory_space<vmem>> -> memref<128x128xf32, #tpu.memory_space<vmem>>
      %dma_wait3A_756 = tpu.memref_slice %arg5[%select_n3A_732, %mul3A_750] : memref<26x512xi32, #tpu.memory_space<vmem>> -> memref<1x128xi32, #tpu.memory_space<vmem>>
      %dma_wait3A_757 = tpu.memref_squeeze %dma_wait3A_756 : memref<1x128xi32, #tpu.memory_space<vmem>> -> memref<128xi32, #tpu.memory_space<vmem>>
      %dma_wait3A_758 = arith.constant 0 : i32
      %dma_wait3A_759 = arith.constant 0 : i32
      %dma_wait3A_760 = tpu.memref_slice %arg2[%dma_wait3A_758, %dma_wait3A_759] : memref<1000x128xf32, #tpu.memory_space<hbm>> -> memref<1000x128xf32, #tpu.memory_space<hbm>>
      tpu.wait_indirect_dma semaphore(%arg8 : memref<!tpu.dma_semaphore, #tpu.memory_space<semaphore_mem>>) src(%dma_wait3A_760 : memref<1000x128xf32, #tpu.memory_space<hbm>>) dst(%dma_wait3A_755 : memref<128x128xf32, #tpu.memory_space<vmem>>)
      %sub3A_761 = arith.constant 3 : i32
      %sub3A_762 = arith.subi %add3A_708, %sub3A_761 : i32
      %jit3A_763 = arith.constant 4 : i32
      %div3A_764 = arith.divsi %sub3A_762, %jit3A_763 : i32
      %sign3A_765 = arith.constant 0 : i32
      %sign3A_766 = arith.cmpi sgt, %sub3A_762, %sign3A_765 : i32
      %sign3A_767 = arith.extui %sign3A_766 : i1 to i32
      %sign3A_768 = arith.constant 0 : i32
      %sign3A_769 = arith.cmpi slt, %sub3A_762, %sign3A_768 : i32
      %sign3A_770 = arith.extui %sign3A_769 : i1 to i32
      %sign3A_771 = arith.subi %sign3A_767, %sign3A_770 : i32
      %sign3A_772 = arith.constant 0 : i32
      %sign3A_773 = arith.cmpi sgt, %jit3A_763, %sign3A_772 : i32
      %sign3A_774 = arith.extui %sign3A_773 : i1 to i32
      %sign3A_775 = arith.constant 0 : i32
      %sign3A_776 = arith.cmpi slt, %jit3A_763, %sign3A_775 : i32
      %sign3A_777 = arith.extui %sign3A_776 : i1 to i32
      %sign3A_778 = arith.subi %sign3A_774, %sign3A_777 : i32
      %ne3A_779 = arith.cmpi ne, %sign3A_771, %sign3A_778 : i32
      %rem3A_780 = arith.remsi %sub3A_762, %jit3A_763 : i32
      %ne3A_781 = arith.constant 0 : i32
      %ne3A_782 = arith.cmpi ne, %rem3A_780, %ne3A_781 : i32
      %and3A_783 = arith.andi %ne3A_779, %ne3A_782 : i1
      %sub3A_784 = arith.constant 1 : i32
      %sub3A_785 = arith.subi %div3A_764, %sub3A_784 : i32
      %select_n3A_786 = arith.select %and3A_783, %sub3A_785, %div3A_764 : i32
      %jit3A_787 = arith.constant 4 : i32
      %eq3A_788 = arith.constant 0 : i32
      %eq3A_789 = arith.cmpi eq, %jit3A_787, %eq3A_788 : i32
      %jit3A_790 = arith.constant 1 : i32
      %select_n3A_791 = arith.select %eq3A_789, %jit3A_790, %jit3A_787 : i32
      %rem3A_792 = arith.remsi %sub3A_762, %select_n3A_791 : i32
      %ne3A_793 = arith.constant 0 : i32
      %ne3A_794 = arith.cmpi ne, %rem3A_792, %ne3A_793 : i32
      %lt3A_795 = arith.constant 0 : i32
      %lt3A_796 = arith.cmpi slt, %rem3A_792, %lt3A_795 : i32
      %lt3A_797 = arith.constant 0 : i32
      %lt3A_798 = arith.cmpi slt, %select_n3A_791, %lt3A_797 : i32
      %ne3A_799 = arith.xori %lt3A_796, %lt3A_798 : i1
      %and3A_800 = arith.andi %ne3A_799, %ne3A_794 : i1
      %add3A_801 = arith.addi %rem3A_792, %select_n3A_791 : i32
      %select_n3A_802 = arith.select %and3A_800, %add3A_801, %rem3A_792 : i32
      %mul3A_803 = arith.constant 128 : i32
      %mul3A_804 = arith.muli %select_n3A_802, %mul3A_803 : i32
      %add3A_805 = arith.addi %mul3A_2, %mul3A_804 : i32
      %dma_wait3A_806 = arith.constant 2 : i32
      %dma_wait3A_807 = arith.constant 0 : i32
      %dma_wait3A_808 = arith.constant 0 : i32
      %dma_wait3A_809 = tpu.memref_slice %arg6[%dma_wait3A_806, %dma_wait3A_807, %dma_wait3A_808] : memref<4x128x128xf32, #tpu.memory_space<vmem>> -> memref<1x128x128xf32, #tpu.memory_space<vmem>>
      %dma_wait3A_810 = tpu.memref_squeeze %dma_wait3A_809 : memref<1x128x128xf32, #tpu.memory_space<vmem>> -> memref<128x128xf32, #tpu.memory_space<vmem>>
      %dma_wait3A_811 = arith.constant 0 : i32
      %dma_wait3A_812 = tpu.memref_slice %arg4[%select_n3A_786, %add3A_805, %dma_wait3A_811] : memref<26x16384x128xf32, #tpu.memory_space<hbm>> -> memref<1x128x128xf32, #tpu.memory_space<hbm>>
      %dma_wait3A_813 = tpu.memref_squeeze %dma_wait3A_812 : memref<1x128x128xf32, #tpu.memory_space<hbm>> -> memref<128x128xf32, #tpu.memory_space<hbm>>
      %dma_wait3A_814 = arith.constant 0 : i32
      %dma_wait3A_815 = tpu.memref_slice %arg4[%select_n3A_786, %add3A_805, %dma_wait3A_814] : memref<26x16384x128xf32, #tpu.memory_space<hbm>> -> memref<1x128x128xf32, #tpu.memory_space<hbm>>
      %dma_wait3A_816 = tpu.memref_squeeze %dma_wait3A_815 : memref<1x128x128xf32, #tpu.memory_space<hbm>> -> memref<128x128xf32, #tpu.memory_space<hbm>>
      %dma_wait3A_817 = arith.constant 0 : i32
      %dma_wait3A_818 = arith.constant 0 : i32
      %dma_wait3A_819 = tpu.memref_slice %arg6[%dma_wait3A_806, %dma_wait3A_817, %dma_wait3A_818] : memref<4x128x128xf32, #tpu.memory_space<vmem>> -> memref<1x128x128xf32, #tpu.memory_space<vmem>>
      %dma_wait3A_820 = tpu.memref_squeeze %dma_wait3A_819 : memref<1x128x128xf32, #tpu.memory_space<vmem>> -> memref<128x128xf32, #tpu.memory_space<vmem>>
      tpu.wait_dma2 semaphore(%arg13 : memref<!tpu.dma_semaphore, #tpu.memory_space<semaphore_mem>>) src(%dma_wait3A_820 : memref<128x128xf32, #tpu.memory_space<vmem>>) dst(%dma_wait3A_816 : memref<128x128xf32, #tpu.memory_space<hbm>>)
      %add3A_821 = arith.constant 1 : i32
      %add3A_822 = arith.addi %add3A_708, %add3A_821 : i32
      %jit3A_823 = arith.constant 4 : i32
      %div3A_824 = arith.divsi %add3A_822, %jit3A_823 : i32
      %sign3A_825 = arith.constant 0 : i32
      %sign3A_826 = arith.cmpi sgt, %add3A_822, %sign3A_825 : i32
      %sign3A_827 = arith.extui %sign3A_826 : i1 to i32
      %sign3A_828 = arith.constant 0 : i32
      %sign3A_829 = arith.cmpi slt, %add3A_822, %sign3A_828 : i32
      %sign3A_830 = arith.extui %sign3A_829 : i1 to i32
      %sign3A_831 = arith.subi %sign3A_827, %sign3A_830 : i32
      %sign3A_832 = arith.constant 0 : i32
      %sign3A_833 = arith.cmpi sgt, %jit3A_823, %sign3A_832 : i32
      %sign3A_834 = arith.extui %sign3A_833 : i1 to i32
      %sign3A_835 = arith.constant 0 : i32
      %sign3A_836 = arith.cmpi slt, %jit3A_823, %sign3A_835 : i32
      %sign3A_837 = arith.extui %sign3A_836 : i1 to i32
      %sign3A_838 = arith.subi %sign3A_834, %sign3A_837 : i32
      %ne3A_839 = arith.cmpi ne, %sign3A_831, %sign3A_838 : i32
      %rem3A_840 = arith.remsi %add3A_822, %jit3A_823 : i32
      %ne3A_841 = arith.constant 0 : i32
      %ne3A_842 = arith.cmpi ne, %rem3A_840, %ne3A_841 : i32
      %and3A_843 = arith.andi %ne3A_839, %ne3A_842 : i1
      %sub3A_844 = arith.constant 1 : i32
      %sub3A_845 = arith.subi %div3A_824, %sub3A_844 : i32
      %select_n3A_846 = arith.select %and3A_843, %sub3A_845, %div3A_824 : i32
      %jit3A_847 = arith.constant 4 : i32
      %eq3A_848 = arith.constant 0 : i32
      %eq3A_849 = arith.cmpi eq, %jit3A_847, %eq3A_848 : i32
      %jit3A_850 = arith.constant 1 : i32
      %select_n3A_851 = arith.select %eq3A_849, %jit3A_850, %jit3A_847 : i32
      %rem3A_852 = arith.remsi %add3A_822, %select_n3A_851 : i32
      %ne3A_853 = arith.constant 0 : i32
      %ne3A_854 = arith.cmpi ne, %rem3A_852, %ne3A_853 : i32
      %lt3A_855 = arith.constant 0 : i32
      %lt3A_856 = arith.cmpi slt, %rem3A_852, %lt3A_855 : i32
      %lt3A_857 = arith.constant 0 : i32
      %lt3A_858 = arith.cmpi slt, %select_n3A_851, %lt3A_857 : i32
      %ne3A_859 = arith.xori %lt3A_856, %lt3A_858 : i1
      %and3A_860 = arith.andi %ne3A_859, %ne3A_854 : i1
      %add3A_861 = arith.addi %rem3A_852, %select_n3A_851 : i32
      %select_n3A_862 = arith.select %and3A_860, %add3A_861, %rem3A_852 : i32
      %mul3A_863 = arith.constant 128 : i32
      %mul3A_864 = arith.muli %select_n3A_862, %mul3A_863 : i32
      %dma_start3A_865 = arith.constant 2 : i32
      %dma_start3A_866 = arith.constant 0 : i32
      %dma_start3A_867 = arith.constant 0 : i32
      %dma_start3A_868 = tpu.memref_slice %arg6[%dma_start3A_865, %dma_start3A_866, %dma_start3A_867] : memref<4x128x128xf32, #tpu.memory_space<vmem>> -> memref<1x128x128xf32, #tpu.memory_space<vmem>>
      %dma_start3A_869 = tpu.memref_squeeze %dma_start3A_868 : memref<1x128x128xf32, #tpu.memory_space<vmem>> -> memref<128x128xf32, #tpu.memory_space<vmem>>
      %dma_start3A_870 = tpu.memref_slice %arg5[%select_n3A_846, %mul3A_864] : memref<26x512xi32, #tpu.memory_space<vmem>> -> memref<1x128xi32, #tpu.memory_space<vmem>>
      %dma_start3A_871 = tpu.memref_squeeze %dma_start3A_870 : memref<1x128xi32, #tpu.memory_space<vmem>> -> memref<128xi32, #tpu.memory_space<vmem>>
      %dma_start3A_872 = arith.constant 0 : i32
      %dma_start3A_873 = arith.constant 0 : i32
      %dma_start3A_874 = tpu.memref_slice %arg2[%dma_start3A_872, %dma_start3A_873] : memref<1000x128xf32, #tpu.memory_space<hbm>> -> memref<1000x128xf32, #tpu.memory_space<hbm>>
      tpu.enqueue_indirect_dma source(%dma_start3A_874 : memref<1000x128xf32, #tpu.memory_space<hbm>>) target(%dma_start3A_869 : memref<128x128xf32, #tpu.memory_space<vmem>>) offsets(%dma_start3A_871 : memref<128xi32, #tpu.memory_space<vmem>>) semaphore(%arg9 : memref<!tpu.dma_semaphore, #tpu.memory_space<semaphore_mem>>)
      %jit3A_875 = arith.constant 4 : i32
      %div3A_876 = arith.divsi %add3A_708, %jit3A_875 : i32
      %sign3A_877 = arith.constant 0 : i32
      %sign3A_878 = arith.cmpi sgt, %add3A_708, %sign3A_877 : i32
      %sign3A_879 = arith.extui %sign3A_878 : i1 to i32
      %sign3A_880 = arith.constant 0 : i32
      %sign3A_881 = arith.cmpi slt, %add3A_708, %sign3A_880 : i32
      %sign3A_882 = arith.extui %sign3A_881 : i1 to i32
      %sign3A_883 = arith.subi %sign3A_879, %sign3A_882 : i32
      %sign3A_884 = arith.constant 0 : i32
      %sign3A_885 = arith.cmpi sgt, %jit3A_875, %sign3A_884 : i32
      %sign3A_886 = arith.extui %sign3A_885 : i1 to i32
      %sign3A_887 = arith.constant 0 : i32
      %sign3A_888 = arith.cmpi slt, %jit3A_875, %sign3A_887 : i32
      %sign3A_889 = arith.extui %sign3A_888 : i1 to i32
      %sign3A_890 = arith.subi %sign3A_886, %sign3A_889 : i32
      %ne3A_891 = arith.cmpi ne, %sign3A_883, %sign3A_890 : i32
      %rem3A_892 = arith.remsi %add3A_708, %jit3A_875 : i32
      %ne3A_893 = arith.constant 0 : i32
      %ne3A_894 = arith.cmpi ne, %rem3A_892, %ne3A_893 : i32
      %and3A_895 = arith.andi %ne3A_891, %ne3A_894 : i1
      %sub3A_896 = arith.constant 1 : i32
      %sub3A_897 = arith.subi %div3A_876, %sub3A_896 : i32
      %select_n3A_898 = arith.select %and3A_895, %sub3A_897, %div3A_876 : i32
      %jit3A_899 = arith.constant 4 : i32
      %eq3A_900 = arith.constant 0 : i32
      %eq3A_901 = arith.cmpi eq, %jit3A_899, %eq3A_900 : i32
      %jit3A_902 = arith.constant 1 : i32
      %select_n3A_903 = arith.select %eq3A_901, %jit3A_902, %jit3A_899 : i32
      %rem3A_904 = arith.remsi %add3A_708, %select_n3A_903 : i32
      %ne3A_905 = arith.constant 0 : i32
      %ne3A_906 = arith.cmpi ne, %rem3A_904, %ne3A_905 : i32
      %lt3A_907 = arith.constant 0 : i32
      %lt3A_908 = arith.cmpi slt, %rem3A_904, %lt3A_907 : i32
      %lt3A_909 = arith.constant 0 : i32
      %lt3A_910 = arith.cmpi slt, %select_n3A_903, %lt3A_909 : i32
      %ne3A_911 = arith.xori %lt3A_908, %lt3A_910 : i1
      %and3A_912 = arith.andi %ne3A_911, %ne3A_906 : i1
      %add3A_913 = arith.addi %rem3A_904, %select_n3A_903 : i32
      %select_n3A_914 = arith.select %and3A_912, %add3A_913, %rem3A_904 : i32
      %mul3A_915 = arith.constant 128 : i32
      %mul3A_916 = arith.muli %select_n3A_914, %mul3A_915 : i32
      %add3A_917 = arith.addi %mul3A_2, %mul3A_916 : i32
      %dma_start3A_918 = arith.constant 1 : i32
      %dma_start3A_919 = arith.constant 0 : i32
      %dma_start3A_920 = arith.constant 0 : i32
      %dma_start3A_921 = tpu.memref_slice %arg6[%dma_start3A_918, %dma_start3A_919, %dma_start3A_920] : memref<4x128x128xf32, #tpu.memory_space<vmem>> -> memref<1x128x128xf32, #tpu.memory_space<vmem>>
      %dma_start3A_922 = tpu.memref_squeeze %dma_start3A_921 : memref<1x128x128xf32, #tpu.memory_space<vmem>> -> memref<128x128xf32, #tpu.memory_space<vmem>>
      %dma_start3A_923 = arith.constant 0 : i32
      %dma_start3A_924 = tpu.memref_slice %arg4[%select_n3A_898, %add3A_917, %dma_start3A_923] : memref<26x16384x128xf32, #tpu.memory_space<hbm>> -> memref<1x128x128xf32, #tpu.memory_space<hbm>>
      %dma_start3A_925 = tpu.memref_squeeze %dma_start3A_924 : memref<1x128x128xf32, #tpu.memory_space<hbm>> -> memref<128x128xf32, #tpu.memory_space<hbm>>
      %dma_start3A_926 = arith.constant 0 : i32
      %dma_start3A_927 = tpu.memref_slice %arg4[%select_n3A_898, %add3A_917, %dma_start3A_926] : memref<26x16384x128xf32, #tpu.memory_space<hbm>> -> memref<1x128x128xf32, #tpu.memory_space<hbm>>
      %dma_start3A_928 = tpu.memref_squeeze %dma_start3A_927 : memref<1x128x128xf32, #tpu.memory_space<hbm>> -> memref<128x128xf32, #tpu.memory_space<hbm>>
      %dma_start3A_929 = arith.constant 0 : i32
      %dma_start3A_930 = arith.constant 0 : i32
      %dma_start3A_931 = tpu.memref_slice %arg6[%dma_start3A_918, %dma_start3A_929, %dma_start3A_930] : memref<4x128x128xf32, #tpu.memory_space<vmem>> -> memref<1x128x128xf32, #tpu.memory_space<vmem>>
      %dma_start3A_932 = tpu.memref_squeeze %dma_start3A_931 : memref<1x128x128xf32, #tpu.memory_space<vmem>> -> memref<128x128xf32, #tpu.memory_space<vmem>>
      tpu.enqueue_dma source(%dma_start3A_932 : memref<128x128xf32, #tpu.memory_space<vmem>>) target(%dma_start3A_928 : memref<128x128xf32, #tpu.memory_space<hbm>>) target_semaphore(%arg12 : memref<!tpu.dma_semaphore, #tpu.memory_space<semaphore_mem>>)
      %add3A_933 = arith.constant 2 : i32
      %add3A_934 = arith.addi %mul3A_490, %add3A_933 : i32
      %jit3A_935 = arith.constant 4 : i32
      %div3A_936 = arith.divsi %add3A_934, %jit3A_935 : i32
      %sign3A_937 = arith.constant 0 : i32
      %sign3A_938 = arith.cmpi sgt, %add3A_934, %sign3A_937 : i32
      %sign3A_939 = arith.extui %sign3A_938 : i1 to i32
      %sign3A_940 = arith.constant 0 : i32
      %sign3A_941 = arith.cmpi slt, %add3A_934, %sign3A_940 : i32
      %sign3A_942 = arith.extui %sign3A_941 : i1 to i32
      %sign3A_943 = arith.subi %sign3A_939, %sign3A_942 : i32
      %sign3A_944 = arith.constant 0 : i32
      %sign3A_945 = arith.cmpi sgt, %jit3A_935, %sign3A_944 : i32
      %sign3A_946 = arith.extui %sign3A_945 : i1 to i32
      %sign3A_947 = arith.constant 0 : i32
      %sign3A_948 = arith.cmpi slt, %jit3A_935, %sign3A_947 : i32
      %sign3A_949 = arith.extui %sign3A_948 : i1 to i32
      %sign3A_950 = arith.subi %sign3A_946, %sign3A_949 : i32
      %ne3A_951 = arith.cmpi ne, %sign3A_943, %sign3A_950 : i32
      %rem3A_952 = arith.remsi %add3A_934, %jit3A_935 : i32
      %ne3A_953 = arith.constant 0 : i32
      %ne3A_954 = arith.cmpi ne, %rem3A_952, %ne3A_953 : i32
      %and3A_955 = arith.andi %ne3A_951, %ne3A_954 : i1
      %sub3A_956 = arith.constant 1 : i32
      %sub3A_957 = arith.subi %div3A_936, %sub3A_956 : i32
      %select_n3A_958 = arith.select %and3A_955, %sub3A_957, %div3A_936 : i32
      %jit3A_959 = arith.constant 4 : i32
      %eq3A_960 = arith.constant 0 : i32
      %eq3A_961 = arith.cmpi eq, %jit3A_959, %eq3A_960 : i32
      %jit3A_962 = arith.constant 1 : i32
      %select_n3A_963 = arith.select %eq3A_961, %jit3A_962, %jit3A_959 : i32
      %rem3A_964 = arith.remsi %add3A_934, %select_n3A_963 : i32
      %ne3A_965 = arith.constant 0 : i32
      %ne3A_966 = arith.cmpi ne, %rem3A_964, %ne3A_965 : i32
      %lt3A_967 = arith.constant 0 : i32
      %lt3A_968 = arith.cmpi slt, %rem3A_964, %lt3A_967 : i32
      %lt3A_969 = arith.constant 0 : i32
      %lt3A_970 = arith.cmpi slt, %select_n3A_963, %lt3A_969 : i32
      %ne3A_971 = arith.xori %lt3A_968, %lt3A_970 : i1
      %and3A_972 = arith.andi %ne3A_971, %ne3A_966 : i1
      %add3A_973 = arith.addi %rem3A_964, %select_n3A_963 : i32
      %select_n3A_974 = arith.select %and3A_972, %add3A_973, %rem3A_964 : i32
      %mul3A_975 = arith.constant 128 : i32
      %mul3A_976 = arith.muli %select_n3A_974, %mul3A_975 : i32
      %dma_wait3A_977 = arith.constant 2 : i32
      %dma_wait3A_978 = arith.constant 0 : i32
      %dma_wait3A_979 = arith.constant 0 : i32
      %dma_wait3A_980 = tpu.memref_slice %arg6[%dma_wait3A_977, %dma_wait3A_978, %dma_wait3A_979] : memref<4x128x128xf32, #tpu.memory_space<vmem>> -> memref<1x128x128xf32, #tpu.memory_space<vmem>>
      %dma_wait3A_981 = tpu.memref_squeeze %dma_wait3A_980 : memref<1x128x128xf32, #tpu.memory_space<vmem>> -> memref<128x128xf32, #tpu.memory_space<vmem>>
      %dma_wait3A_982 = tpu.memref_slice %arg5[%select_n3A_958, %mul3A_976] : memref<26x512xi32, #tpu.memory_space<vmem>> -> memref<1x128xi32, #tpu.memory_space<vmem>>
      %dma_wait3A_983 = tpu.memref_squeeze %dma_wait3A_982 : memref<1x128xi32, #tpu.memory_space<vmem>> -> memref<128xi32, #tpu.memory_space<vmem>>
      %dma_wait3A_984 = arith.constant 0 : i32
      %dma_wait3A_985 = arith.constant 0 : i32
      %dma_wait3A_986 = tpu.memref_slice %arg2[%dma_wait3A_984, %dma_wait3A_985] : memref<1000x128xf32, #tpu.memory_space<hbm>> -> memref<1000x128xf32, #tpu.memory_space<hbm>>
      tpu.wait_indirect_dma semaphore(%arg9 : memref<!tpu.dma_semaphore, #tpu.memory_space<semaphore_mem>>) src(%dma_wait3A_986 : memref<1000x128xf32, #tpu.memory_space<hbm>>) dst(%dma_wait3A_981 : memref<128x128xf32, #tpu.memory_space<vmem>>)
      %sub3A_987 = arith.constant 3 : i32
      %sub3A_988 = arith.subi %add3A_934, %sub3A_987 : i32
      %jit3A_989 = arith.constant 4 : i32
      %div3A_990 = arith.divsi %sub3A_988, %jit3A_989 : i32
      %sign3A_991 = arith.constant 0 : i32
      %sign3A_992 = arith.cmpi sgt, %sub3A_988, %sign3A_991 : i32
      %sign3A_993 = arith.extui %sign3A_992 : i1 to i32
      %sign3A_994 = arith.constant 0 : i32
      %sign3A_995 = arith.cmpi slt, %sub3A_988, %sign3A_994 : i32
      %sign3A_996 = arith.extui %sign3A_995 : i1 to i32
      %sign3A_997 = arith.subi %sign3A_993, %sign3A_996 : i32
      %sign3A_998 = arith.constant 0 : i32
      %sign3A_999 = arith.cmpi sgt, %jit3A_989, %sign3A_998 : i32
      %sign3A_1000 = arith.extui %sign3A_999 : i1 to i32
      %sign3A_1001 = arith.constant 0 : i32
      %sign3A_1002 = arith.cmpi slt, %jit3A_989, %sign3A_1001 : i32
      %sign3A_1003 = arith.extui %sign3A_1002 : i1 to i32
      %sign3A_1004 = arith.subi %sign3A_1000, %sign3A_1003 : i32
      %ne3A_1005 = arith.cmpi ne, %sign3A_997, %sign3A_1004 : i32
      %rem3A_1006 = arith.remsi %sub3A_988, %jit3A_989 : i32
      %ne3A_1007 = arith.constant 0 : i32
      %ne3A_1008 = arith.cmpi ne, %rem3A_1006, %ne3A_1007 : i32
      %and3A_1009 = arith.andi %ne3A_1005, %ne3A_1008 : i1
      %sub3A_1010 = arith.constant 1 : i32
      %sub3A_1011 = arith.subi %div3A_990, %sub3A_1010 : i32
      %select_n3A_1012 = arith.select %and3A_1009, %sub3A_1011, %div3A_990 : i32
      %jit3A_1013 = arith.constant 4 : i32
      %eq3A_1014 = arith.constant 0 : i32
      %eq3A_1015 = arith.cmpi eq, %jit3A_1013, %eq3A_1014 : i32
      %jit3A_1016 = arith.constant 1 : i32
      %select_n3A_1017 = arith.select %eq3A_1015, %jit3A_1016, %jit3A_1013 : i32
      %rem3A_1018 = arith.remsi %sub3A_988, %select_n3A_1017 : i32
      %ne3A_1019 = arith.constant 0 : i32
      %ne3A_1020 = arith.cmpi ne, %rem3A_1018, %ne3A_1019 : i32
      %lt3A_1021 = arith.constant 0 : i32
      %lt3A_1022 = arith.cmpi slt, %rem3A_1018, %lt3A_1021 : i32
      %lt3A_1023 = arith.constant 0 : i32
      %lt3A_1024 = arith.cmpi slt, %select_n3A_1017, %lt3A_1023 : i32
      %ne3A_1025 = arith.xori %lt3A_1022, %lt3A_1024 : i1
      %and3A_1026 = arith.andi %ne3A_1025, %ne3A_1020 : i1
      %add3A_1027 = arith.addi %rem3A_1018, %select_n3A_1017 : i32
      %select_n3A_1028 = arith.select %and3A_1026, %add3A_1027, %rem3A_1018 : i32
      %mul3A_1029 = arith.constant 128 : i32
      %mul3A_1030 = arith.muli %select_n3A_1028, %mul3A_1029 : i32
      %add3A_1031 = arith.addi %mul3A_2, %mul3A_1030 : i32
      %dma_wait3A_1032 = arith.constant 3 : i32
      %dma_wait3A_1033 = arith.constant 0 : i32
      %dma_wait3A_1034 = arith.constant 0 : i32
      %dma_wait3A_1035 = tpu.memref_slice %arg6[%dma_wait3A_1032, %dma_wait3A_1033, %dma_wait3A_1034] : memref<4x128x128xf32, #tpu.memory_space<vmem>> -> memref<1x128x128xf32, #tpu.memory_space<vmem>>
      %dma_wait3A_1036 = tpu.memref_squeeze %dma_wait3A_1035 : memref<1x128x128xf32, #tpu.memory_space<vmem>> -> memref<128x128xf32, #tpu.memory_space<vmem>>
      %dma_wait3A_1037 = arith.constant 0 : i32
      %dma_wait3A_1038 = tpu.memref_slice %arg4[%select_n3A_1012, %add3A_1031, %dma_wait3A_1037] : memref<26x16384x128xf32, #tpu.memory_space<hbm>> -> memref<1x128x128xf32, #tpu.memory_space<hbm>>
      %dma_wait3A_1039 = tpu.memref_squeeze %dma_wait3A_1038 : memref<1x128x128xf32, #tpu.memory_space<hbm>> -> memref<128x128xf32, #tpu.memory_space<hbm>>
      %dma_wait3A_1040 = arith.constant 0 : i32
      %dma_wait3A_1041 = tpu.memref_slice %arg4[%select_n3A_1012, %add3A_1031, %dma_wait3A_1040] : memref<26x16384x128xf32, #tpu.memory_space<hbm>> -> memref<1x128x128xf32, #tpu.memory_space<hbm>>
      %dma_wait3A_1042 = tpu.memref_squeeze %dma_wait3A_1041 : memref<1x128x128xf32, #tpu.memory_space<hbm>> -> memref<128x128xf32, #tpu.memory_space<hbm>>
      %dma_wait3A_1043 = arith.constant 0 : i32
      %dma_wait3A_1044 = arith.constant 0 : i32
      %dma_wait3A_1045 = tpu.memref_slice %arg6[%dma_wait3A_1032, %dma_wait3A_1043, %dma_wait3A_1044] : memref<4x128x128xf32, #tpu.memory_space<vmem>> -> memref<1x128x128xf32, #tpu.memory_space<vmem>>
      %dma_wait3A_1046 = tpu.memref_squeeze %dma_wait3A_1045 : memref<1x128x128xf32, #tpu.memory_space<vmem>> -> memref<128x128xf32, #tpu.memory_space<vmem>>
      tpu.wait_dma2 semaphore(%arg14 : memref<!tpu.dma_semaphore, #tpu.memory_space<semaphore_mem>>) src(%dma_wait3A_1046 : memref<128x128xf32, #tpu.memory_space<vmem>>) dst(%dma_wait3A_1042 : memref<128x128xf32, #tpu.memory_space<hbm>>)
      %add3A_1047 = arith.constant 1 : i32
      %add3A_1048 = arith.addi %add3A_934, %add3A_1047 : i32
      %jit3A_1049 = arith.constant 4 : i32
      %div3A_1050 = arith.divsi %add3A_1048, %jit3A_1049 : i32
      %sign3A_1051 = arith.constant 0 : i32
      %sign3A_1052 = arith.cmpi sgt, %add3A_1048, %sign3A_1051 : i32
      %sign3A_1053 = arith.extui %sign3A_1052 : i1 to i32
      %sign3A_1054 = arith.constant 0 : i32
      %sign3A_1055 = arith.cmpi slt, %add3A_1048, %sign3A_1054 : i32
      %sign3A_1056 = arith.extui %sign3A_1055 : i1 to i32
      %sign3A_1057 = arith.subi %sign3A_1053, %sign3A_1056 : i32
      %sign3A_1058 = arith.constant 0 : i32
      %sign3A_1059 = arith.cmpi sgt, %jit3A_1049, %sign3A_1058 : i32
      %sign3A_1060 = arith.extui %sign3A_1059 : i1 to i32
      %sign3A_1061 = arith.constant 0 : i32
      %sign3A_1062 = arith.cmpi slt, %jit3A_1049, %sign3A_1061 : i32
      %sign3A_1063 = arith.extui %sign3A_1062 : i1 to i32
      %sign3A_1064 = arith.subi %sign3A_1060, %sign3A_1063 : i32
      %ne3A_1065 = arith.cmpi ne, %sign3A_1057, %sign3A_1064 : i32
      %rem3A_1066 = arith.remsi %add3A_1048, %jit3A_1049 : i32
      %ne3A_1067 = arith.constant 0 : i32
      %ne3A_1068 = arith.cmpi ne, %rem3A_1066, %ne3A_1067 : i32
      %and3A_1069 = arith.andi %ne3A_1065, %ne3A_1068 : i1
      %sub3A_1070 = arith.constant 1 : i32
      %sub3A_1071 = arith.subi %div3A_1050, %sub3A_1070 : i32
      %select_n3A_1072 = arith.select %and3A_1069, %sub3A_1071, %div3A_1050 : i32
      %jit3A_1073 = arith.constant 4 : i32
      %eq3A_1074 = arith.constant 0 : i32
      %eq3A_1075 = arith.cmpi eq, %jit3A_1073, %eq3A_1074 : i32
      %jit3A_1076 = arith.constant 1 : i32
      %select_n3A_1077 = arith.select %eq3A_1075, %jit3A_1076, %jit3A_1073 : i32
      %rem3A_1078 = arith.remsi %add3A_1048, %select_n3A_1077 : i32
      %ne3A_1079 = arith.constant 0 : i32
      %ne3A_1080 = arith.cmpi ne, %rem3A_1078, %ne3A_1079 : i32
      %lt3A_1081 = arith.constant 0 : i32
      %lt3A_1082 = arith.cmpi slt, %rem3A_1078, %lt3A_1081 : i32
      %lt3A_1083 = arith.constant 0 : i32
      %lt3A_1084 = arith.cmpi slt, %select_n3A_1077, %lt3A_1083 : i32
      %ne3A_1085 = arith.xori %lt3A_1082, %lt3A_1084 : i1
      %and3A_1086 = arith.andi %ne3A_1085, %ne3A_1080 : i1
      %add3A_1087 = arith.addi %rem3A_1078, %select_n3A_1077 : i32
      %select_n3A_1088 = arith.select %and3A_1086, %add3A_1087, %rem3A_1078 : i32
      %mul3A_1089 = arith.constant 128 : i32
      %mul3A_1090 = arith.muli %select_n3A_1088, %mul3A_1089 : i32
      %dma_start3A_1091 = arith.constant 3 : i32
      %dma_start3A_1092 = arith.constant 0 : i32
      %dma_start3A_1093 = arith.constant 0 : i32
      %dma_start3A_1094 = tpu.memref_slice %arg6[%dma_start3A_1091, %dma_start3A_1092, %dma_start3A_1093] : memref<4x128x128xf32, #tpu.memory_space<vmem>> -> memref<1x128x128xf32, #tpu.memory_space<vmem>>
      %dma_start3A_1095 = tpu.memref_squeeze %dma_start3A_1094 : memref<1x128x128xf32, #tpu.memory_space<vmem>> -> memref<128x128xf32, #tpu.memory_space<vmem>>
      %dma_start3A_1096 = tpu.memref_slice %arg5[%select_n3A_1072, %mul3A_1090] : memref<26x512xi32, #tpu.memory_space<vmem>> -> memref<1x128xi32, #tpu.memory_space<vmem>>
      %dma_start3A_1097 = tpu.memref_squeeze %dma_start3A_1096 : memref<1x128xi32, #tpu.memory_space<vmem>> -> memref<128xi32, #tpu.memory_space<vmem>>
      %dma_start3A_1098 = arith.constant 0 : i32
      %dma_start3A_1099 = arith.constant 0 : i32
      %dma_start3A_1100 = tpu.memref_slice %arg2[%dma_start3A_1098, %dma_start3A_1099] : memref<1000x128xf32, #tpu.memory_space<hbm>> -> memref<1000x128xf32, #tpu.memory_space<hbm>>
      tpu.enqueue_indirect_dma source(%dma_start3A_1100 : memref<1000x128xf32, #tpu.memory_space<hbm>>) target(%dma_start3A_1095 : memref<128x128xf32, #tpu.memory_space<vmem>>) offsets(%dma_start3A_1097 : memref<128xi32, #tpu.memory_space<vmem>>) semaphore(%arg10 : memref<!tpu.dma_semaphore, #tpu.memory_space<semaphore_mem>>)
      %jit3A_1101 = arith.constant 4 : i32
      %div3A_1102 = arith.divsi %add3A_934, %jit3A_1101 : i32
      %sign3A_1103 = arith.constant 0 : i32
      %sign3A_1104 = arith.cmpi sgt, %add3A_934, %sign3A_1103 : i32
      %sign3A_1105 = arith.extui %sign3A_1104 : i1 to i32
      %sign3A_1106 = arith.constant 0 : i32
      %sign3A_1107 = arith.cmpi slt, %add3A_934, %sign3A_1106 : i32
      %sign3A_1108 = arith.extui %sign3A_1107 : i1 to i32
      %sign3A_1109 = arith.subi %sign3A_1105, %sign3A_1108 : i32
      %sign3A_1110 = arith.constant 0 : i32
      %sign3A_1111 = arith.cmpi sgt, %jit3A_1101, %sign3A_1110 : i32
      %sign3A_1112 = arith.extui %sign3A_1111 : i1 to i32
      %sign3A_1113 = arith.constant 0 : i32
      %sign3A_1114 = arith.cmpi slt, %jit3A_1101, %sign3A_1113 : i32
      %sign3A_1115 = arith.extui %sign3A_1114 : i1 to i32
      %sign3A_1116 = arith.subi %sign3A_1112, %sign3A_1115 : i32
      %ne3A_1117 = arith.cmpi ne, %sign3A_1109, %sign3A_1116 : i32
      %rem3A_1118 = arith.remsi %add3A_934, %jit3A_1101 : i32
      %ne3A_1119 = arith.constant 0 : i32
      %ne3A_1120 = arith.cmpi ne, %rem3A_1118, %ne3A_1119 : i32
      %and3A_1121 = arith.andi %ne3A_1117, %ne3A_1120 : i1
      %sub3A_1122 = arith.constant 1 : i32
      %sub3A_1123 = arith.subi %div3A_1102, %sub3A_1122 : i32
      %select_n3A_1124 = arith.select %and3A_1121, %sub3A_1123, %div3A_1102 : i32
      %jit3A_1125 = arith.constant 4 : i32
      %eq3A_1126 = arith.constant 0 : i32
      %eq3A_1127 = arith.cmpi eq, %jit3A_1125, %eq3A_1126 : i32
      %jit3A_1128 = arith.constant 1 : i32
      %select_n3A_1129 = arith.select %eq3A_1127, %jit3A_1128, %jit3A_1125 : i32
      %rem3A_1130 = arith.remsi %add3A_934, %select_n3A_1129 : i32
      %ne3A_1131 = arith.constant 0 : i32
      %ne3A_1132 = arith.cmpi ne, %rem3A_1130, %ne3A_1131 : i32
      %lt3A_1133 = arith.constant 0 : i32
      %lt3A_1134 = arith.cmpi slt, %rem3A_1130, %lt3A_1133 : i32
      %lt3A_1135 = arith.constant 0 : i32
      %lt3A_1136 = arith.cmpi slt, %select_n3A_1129, %lt3A_1135 : i32
      %ne3A_1137 = arith.xori %lt3A_1134, %lt3A_1136 : i1
      %and3A_1138 = arith.andi %ne3A_1137, %ne3A_1132 : i1
      %add3A_1139 = arith.addi %rem3A_1130, %select_n3A_1129 : i32
      %select_n3A_1140 = arith.select %and3A_1138, %add3A_1139, %rem3A_1130 : i32
      %mul3A_1141 = arith.constant 128 : i32
      %mul3A_1142 = arith.muli %select_n3A_1140, %mul3A_1141 : i32
      %add3A_1143 = arith.addi %mul3A_2, %mul3A_1142 : i32
      %dma_start3A_1144 = arith.constant 2 : i32
      %dma_start3A_1145 = arith.constant 0 : i32
      %dma_start3A_1146 = arith.constant 0 : i32
      %dma_start3A_1147 = tpu.memref_slice %arg6[%dma_start3A_1144, %dma_start3A_1145, %dma_start3A_1146] : memref<4x128x128xf32, #tpu.memory_space<vmem>> -> memref<1x128x128xf32, #tpu.memory_space<vmem>>
      %dma_start3A_1148 = tpu.memref_squeeze %dma_start3A_1147 : memref<1x128x128xf32, #tpu.memory_space<vmem>> -> memref<128x128xf32, #tpu.memory_space<vmem>>
      %dma_start3A_1149 = arith.constant 0 : i32
      %dma_start3A_1150 = tpu.memref_slice %arg4[%select_n3A_1124, %add3A_1143, %dma_start3A_1149] : memref<26x16384x128xf32, #tpu.memory_space<hbm>> -> memref<1x128x128xf32, #tpu.memory_space<hbm>>
      %dma_start3A_1151 = tpu.memref_squeeze %dma_start3A_1150 : memref<1x128x128xf32, #tpu.memory_space<hbm>> -> memref<128x128xf32, #tpu.memory_space<hbm>>
      %dma_start3A_1152 = arith.constant 0 : i32
      %dma_start3A_1153 = tpu.memref_slice %arg4[%select_n3A_1124, %add3A_1143, %dma_start3A_1152] : memref<26x16384x128xf32, #tpu.memory_space<hbm>> -> memref<1x128x128xf32, #tpu.memory_space<hbm>>
      %dma_start3A_1154 = tpu.memref_squeeze %dma_start3A_1153 : memref<1x128x128xf32, #tpu.memory_space<hbm>> -> memref<128x128xf32, #tpu.memory_space<hbm>>
      %dma_start3A_1155 = arith.constant 0 : i32
      %dma_start3A_1156 = arith.constant 0 : i32
      %dma_start3A_1157 = tpu.memref_slice %arg6[%dma_start3A_1144, %dma_start3A_1155, %dma_start3A_1156] : memref<4x128x128xf32, #tpu.memory_space<vmem>> -> memref<1x128x128xf32, #tpu.memory_space<vmem>>
      %dma_start3A_1158 = tpu.memref_squeeze %dma_start3A_1157 : memref<1x128x128xf32, #tpu.memory_space<vmem>> -> memref<128x128xf32, #tpu.memory_space<vmem>>
      tpu.enqueue_dma source(%dma_start3A_1158 : memref<128x128xf32, #tpu.memory_space<vmem>>) target(%dma_start3A_1154 : memref<128x128xf32, #tpu.memory_space<hbm>>) target_semaphore(%arg13 : memref<!tpu.dma_semaphore, #tpu.memory_space<semaphore_mem>>)
      %add3A_1159 = arith.constant 3 : i32
      %add3A_1160 = arith.addi %mul3A_490, %add3A_1159 : i32
      %jit3A_1161 = arith.constant 4 : i32
      %div3A_1162 = arith.divsi %add3A_1160, %jit3A_1161 : i32
      %sign3A_1163 = arith.constant 0 : i32
      %sign3A_1164 = arith.cmpi sgt, %add3A_1160, %sign3A_1163 : i32
      %sign3A_1165 = arith.extui %sign3A_1164 : i1 to i32
      %sign3A_1166 = arith.constant 0 : i32
      %sign3A_1167 = arith.cmpi slt, %add3A_1160, %sign3A_1166 : i32
      %sign3A_1168 = arith.extui %sign3A_1167 : i1 to i32
      %sign3A_1169 = arith.subi %sign3A_1165, %sign3A_1168 : i32
      %sign3A_1170 = arith.constant 0 : i32
      %sign3A_1171 = arith.cmpi sgt, %jit3A_1161, %sign3A_1170 : i32
      %sign3A_1172 = arith.extui %sign3A_1171 : i1 to i32
      %sign3A_1173 = arith.constant 0 : i32
      %sign3A_1174 = arith.cmpi slt, %jit3A_1161, %sign3A_1173 : i32
      %sign3A_1175 = arith.extui %sign3A_1174 : i1 to i32
      %sign3A_1176 = arith.subi %sign3A_1172, %sign3A_1175 : i32
      %ne3A_1177 = arith.cmpi ne, %sign3A_1169, %sign3A_1176 : i32
      %rem3A_1178 = arith.remsi %add3A_1160, %jit3A_1161 : i32
      %ne3A_1179 = arith.constant 0 : i32
      %ne3A_1180 = arith.cmpi ne, %rem3A_1178, %ne3A_1179 : i32
      %and3A_1181 = arith.andi %ne3A_1177, %ne3A_1180 : i1
      %sub3A_1182 = arith.constant 1 : i32
      %sub3A_1183 = arith.subi %div3A_1162, %sub3A_1182 : i32
      %select_n3A_1184 = arith.select %and3A_1181, %sub3A_1183, %div3A_1162 : i32
      %jit3A_1185 = arith.constant 4 : i32
      %eq3A_1186 = arith.constant 0 : i32
      %eq3A_1187 = arith.cmpi eq, %jit3A_1185, %eq3A_1186 : i32
      %jit3A_1188 = arith.constant 1 : i32
      %select_n3A_1189 = arith.select %eq3A_1187, %jit3A_1188, %jit3A_1185 : i32
      %rem3A_1190 = arith.remsi %add3A_1160, %select_n3A_1189 : i32
      %ne3A_1191 = arith.constant 0 : i32
      %ne3A_1192 = arith.cmpi ne, %rem3A_1190, %ne3A_1191 : i32
      %lt3A_1193 = arith.constant 0 : i32
      %lt3A_1194 = arith.cmpi slt, %rem3A_1190, %lt3A_1193 : i32
      %lt3A_1195 = arith.constant 0 : i32
      %lt3A_1196 = arith.cmpi slt, %select_n3A_1189, %lt3A_1195 : i32
      %ne3A_1197 = arith.xori %lt3A_1194, %lt3A_1196 : i1
      %and3A_1198 = arith.andi %ne3A_1197, %ne3A_1192 : i1
      %add3A_1199 = arith.addi %rem3A_1190, %select_n3A_1189 : i32
      %select_n3A_1200 = arith.select %and3A_1198, %add3A_1199, %rem3A_1190 : i32
      %mul3A_1201 = arith.constant 128 : i32
      %mul3A_1202 = arith.muli %select_n3A_1200, %mul3A_1201 : i32
      %dma_wait3A_1203 = arith.constant 3 : i32
      %dma_wait3A_1204 = arith.constant 0 : i32
      %dma_wait3A_1205 = arith.constant 0 : i32
      %dma_wait3A_1206 = tpu.memref_slice %arg6[%dma_wait3A_1203, %dma_wait3A_1204, %dma_wait3A_1205] : memref<4x128x128xf32, #tpu.memory_space<vmem>> -> memref<1x128x128xf32, #tpu.memory_space<vmem>>
      %dma_wait3A_1207 = tpu.memref_squeeze %dma_wait3A_1206 : memref<1x128x128xf32, #tpu.memory_space<vmem>> -> memref<128x128xf32, #tpu.memory_space<vmem>>
      %dma_wait3A_1208 = tpu.memref_slice %arg5[%select_n3A_1184, %mul3A_1202] : memref<26x512xi32, #tpu.memory_space<vmem>> -> memref<1x128xi32, #tpu.memory_space<vmem>>
      %dma_wait3A_1209 = tpu.memref_squeeze %dma_wait3A_1208 : memref<1x128xi32, #tpu.memory_space<vmem>> -> memref<128xi32, #tpu.memory_space<vmem>>
      %dma_wait3A_1210 = arith.constant 0 : i32
      %dma_wait3A_1211 = arith.constant 0 : i32
      %dma_wait3A_1212 = tpu.memref_slice %arg2[%dma_wait3A_1210, %dma_wait3A_1211] : memref<1000x128xf32, #tpu.memory_space<hbm>> -> memref<1000x128xf32, #tpu.memory_space<hbm>>
      tpu.wait_indirect_dma semaphore(%arg10 : memref<!tpu.dma_semaphore, #tpu.memory_space<semaphore_mem>>) src(%dma_wait3A_1212 : memref<1000x128xf32, #tpu.memory_space<hbm>>) dst(%dma_wait3A_1207 : memref<128x128xf32, #tpu.memory_space<vmem>>)
      %sub3A_1213 = arith.constant 3 : i32
      %sub3A_1214 = arith.subi %add3A_1160, %sub3A_1213 : i32
      %jit3A_1215 = arith.constant 4 : i32
      %div3A_1216 = arith.divsi %sub3A_1214, %jit3A_1215 : i32
      %sign3A_1217 = arith.constant 0 : i32
      %sign3A_1218 = arith.cmpi sgt, %sub3A_1214, %sign3A_1217 : i32
      %sign3A_1219 = arith.extui %sign3A_1218 : i1 to i32
      %sign3A_1220 = arith.constant 0 : i32
      %sign3A_1221 = arith.cmpi slt, %sub3A_1214, %sign3A_1220 : i32
      %sign3A_1222 = arith.extui %sign3A_1221 : i1 to i32
      %sign3A_1223 = arith.subi %sign3A_1219, %sign3A_1222 : i32
      %sign3A_1224 = arith.constant 0 : i32
      %sign3A_1225 = arith.cmpi sgt, %jit3A_1215, %sign3A_1224 : i32
      %sign3A_1226 = arith.extui %sign3A_1225 : i1 to i32
      %sign3A_1227 = arith.constant 0 : i32
      %sign3A_1228 = arith.cmpi slt, %jit3A_1215, %sign3A_1227 : i32
      %sign3A_1229 = arith.extui %sign3A_1228 : i1 to i32
      %sign3A_1230 = arith.subi %sign3A_1226, %sign3A_1229 : i32
      %ne3A_1231 = arith.cmpi ne, %sign3A_1223, %sign3A_1230 : i32
      %rem3A_1232 = arith.remsi %sub3A_1214, %jit3A_1215 : i32
      %ne3A_1233 = arith.constant 0 : i32
      %ne3A_1234 = arith.cmpi ne, %rem3A_1232, %ne3A_1233 : i32
      %and3A_1235 = arith.andi %ne3A_1231, %ne3A_1234 : i1
      %sub3A_1236 = arith.constant 1 : i32
      %sub3A_1237 = arith.subi %div3A_1216, %sub3A_1236 : i32
      %select_n3A_1238 = arith.select %and3A_1235, %sub3A_1237, %div3A_1216 : i32
      %jit3A_1239 = arith.constant 4 : i32
      %eq3A_1240 = arith.constant 0 : i32
      %eq3A_1241 = arith.cmpi eq, %jit3A_1239, %eq3A_1240 : i32
      %jit3A_1242 = arith.constant 1 : i32
      %select_n3A_1243 = arith.select %eq3A_1241, %jit3A_1242, %jit3A_1239 : i32
      %rem3A_1244 = arith.remsi %sub3A_1214, %select_n3A_1243 : i32
      %ne3A_1245 = arith.constant 0 : i32
      %ne3A_1246 = arith.cmpi ne, %rem3A_1244, %ne3A_1245 : i32
      %lt3A_1247 = arith.constant 0 : i32
      %lt3A_1248 = arith.cmpi slt, %rem3A_1244, %lt3A_1247 : i32
      %lt3A_1249 = arith.constant 0 : i32
      %lt3A_1250 = arith.cmpi slt, %select_n3A_1243, %lt3A_1249 : i32
      %ne3A_1251 = arith.xori %lt3A_1248, %lt3A_1250 : i1
      %and3A_1252 = arith.andi %ne3A_1251, %ne3A_1246 : i1
      %add3A_1253 = arith.addi %rem3A_1244, %select_n3A_1243 : i32
      %select_n3A_1254 = arith.select %and3A_1252, %add3A_1253, %rem3A_1244 : i32
      %mul3A_1255 = arith.constant 128 : i32
      %mul3A_1256 = arith.muli %select_n3A_1254, %mul3A_1255 : i32
      %add3A_1257 = arith.addi %mul3A_2, %mul3A_1256 : i32
      %dma_wait3A_1258 = arith.constant 0 : i32
      %dma_wait3A_1259 = arith.constant 0 : i32
      %dma_wait3A_1260 = arith.constant 0 : i32
      %dma_wait3A_1261 = tpu.memref_slice %arg6[%dma_wait3A_1258, %dma_wait3A_1259, %dma_wait3A_1260] : memref<4x128x128xf32, #tpu.memory_space<vmem>> -> memref<1x128x128xf32, #tpu.memory_space<vmem>>
      %dma_wait3A_1262 = tpu.memref_squeeze %dma_wait3A_1261 : memref<1x128x128xf32, #tpu.memory_space<vmem>> -> memref<128x128xf32, #tpu.memory_space<vmem>>
      %dma_wait3A_1263 = arith.constant 0 : i32
      %dma_wait3A_1264 = tpu.memref_slice %arg4[%select_n3A_1238, %add3A_1257, %dma_wait3A_1263] : memref<26x16384x128xf32, #tpu.memory_space<hbm>> -> memref<1x128x128xf32, #tpu.memory_space<hbm>>
      %dma_wait3A_1265 = tpu.memref_squeeze %dma_wait3A_1264 : memref<1x128x128xf32, #tpu.memory_space<hbm>> -> memref<128x128xf32, #tpu.memory_space<hbm>>
      %dma_wait3A_1266 = arith.constant 0 : i32
      %dma_wait3A_1267 = tpu.memref_slice %arg4[%select_n3A_1238, %add3A_1257, %dma_wait3A_1266] : memref<26x16384x128xf32, #tpu.memory_space<hbm>> -> memref<1x128x128xf32, #tpu.memory_space<hbm>>
      %dma_wait3A_1268 = tpu.memref_squeeze %dma_wait3A_1267 : memref<1x128x128xf32, #tpu.memory_space<hbm>> -> memref<128x128xf32, #tpu.memory_space<hbm>>
      %dma_wait3A_1269 = arith.constant 0 : i32
      %dma_wait3A_1270 = arith.constant 0 : i32
      %dma_wait3A_1271 = tpu.memref_slice %arg6[%dma_wait3A_1258, %dma_wait3A_1269, %dma_wait3A_1270] : memref<4x128x128xf32, #tpu.memory_space<vmem>> -> memref<1x128x128xf32, #tpu.memory_space<vmem>>
      %dma_wait3A_1272 = tpu.memref_squeeze %dma_wait3A_1271 : memref<1x128x128xf32, #tpu.memory_space<vmem>> -> memref<128x128xf32, #tpu.memory_space<vmem>>
      tpu.wait_dma2 semaphore(%arg11 : memref<!tpu.dma_semaphore, #tpu.memory_space<semaphore_mem>>) src(%dma_wait3A_1272 : memref<128x128xf32, #tpu.memory_space<vmem>>) dst(%dma_wait3A_1268 : memref<128x128xf32, #tpu.memory_space<hbm>>)
      %add3A_1273 = arith.constant 1 : i32
      %add3A_1274 = arith.addi %add3A_1160, %add3A_1273 : i32
      %jit3A_1275 = arith.constant 4 : i32
      %div3A_1276 = arith.divsi %add3A_1274, %jit3A_1275 : i32
      %sign3A_1277 = arith.constant 0 : i32
      %sign3A_1278 = arith.cmpi sgt, %add3A_1274, %sign3A_1277 : i32
      %sign3A_1279 = arith.extui %sign3A_1278 : i1 to i32
      %sign3A_1280 = arith.constant 0 : i32
      %sign3A_1281 = arith.cmpi slt, %add3A_1274, %sign3A_1280 : i32
      %sign3A_1282 = arith.extui %sign3A_1281 : i1 to i32
      %sign3A_1283 = arith.subi %sign3A_1279, %sign3A_1282 : i32
      %sign3A_1284 = arith.constant 0 : i32
      %sign3A_1285 = arith.cmpi sgt, %jit3A_1275, %sign3A_1284 : i32
      %sign3A_1286 = arith.extui %sign3A_1285 : i1 to i32
      %sign3A_1287 = arith.constant 0 : i32
      %sign3A_1288 = arith.cmpi slt, %jit3A_1275, %sign3A_1287 : i32
      %sign3A_1289 = arith.extui %sign3A_1288 : i1 to i32
      %sign3A_1290 = arith.subi %sign3A_1286, %sign3A_1289 : i32
      %ne3A_1291 = arith.cmpi ne, %sign3A_1283, %sign3A_1290 : i32
      %rem3A_1292 = arith.remsi %add3A_1274, %jit3A_1275 : i32
      %ne3A_1293 = arith.constant 0 : i32
      %ne3A_1294 = arith.cmpi ne, %rem3A_1292, %ne3A_1293 : i32
      %and3A_1295 = arith.andi %ne3A_1291, %ne3A_1294 : i1
      %sub3A_1296 = arith.constant 1 : i32
      %sub3A_1297 = arith.subi %div3A_1276, %sub3A_1296 : i32
      %select_n3A_1298 = arith.select %and3A_1295, %sub3A_1297, %div3A_1276 : i32
      %jit3A_1299 = arith.constant 4 : i32
      %eq3A_1300 = arith.constant 0 : i32
      %eq3A_1301 = arith.cmpi eq, %jit3A_1299, %eq3A_1300 : i32
      %jit3A_1302 = arith.constant 1 : i32
      %select_n3A_1303 = arith.select %eq3A_1301, %jit3A_1302, %jit3A_1299 : i32
      %rem3A_1304 = arith.remsi %add3A_1274, %select_n3A_1303 : i32
      %ne3A_1305 = arith.constant 0 : i32
      %ne3A_1306 = arith.cmpi ne, %rem3A_1304, %ne3A_1305 : i32
      %lt3A_1307 = arith.constant 0 : i32
      %lt3A_1308 = arith.cmpi slt, %rem3A_1304, %lt3A_1307 : i32
      %lt3A_1309 = arith.constant 0 : i32
      %lt3A_1310 = arith.cmpi slt, %select_n3A_1303, %lt3A_1309 : i32
      %ne3A_1311 = arith.xori %lt3A_1308, %lt3A_1310 : i1
      %and3A_1312 = arith.andi %ne3A_1311, %ne3A_1306 : i1
      %add3A_1313 = arith.addi %rem3A_1304, %select_n3A_1303 : i32
      %select_n3A_1314 = arith.select %and3A_1312, %add3A_1313, %rem3A_1304 : i32
      %mul3A_1315 = arith.constant 128 : i32
      %mul3A_1316 = arith.muli %select_n3A_1314, %mul3A_1315 : i32
      %dma_start3A_1317 = arith.constant 0 : i32
      %dma_start3A_1318 = arith.constant 0 : i32
      %dma_start3A_1319 = arith.constant 0 : i32
      %dma_start3A_1320 = tpu.memref_slice %arg6[%dma_start3A_1317, %dma_start3A_1318, %dma_start3A_1319] : memref<4x128x128xf32, #tpu.memory_space<vmem>> -> memref<1x128x128xf32, #tpu.memory_space<vmem>>
      %dma_start3A_1321 = tpu.memref_squeeze %dma_start3A_1320 : memref<1x128x128xf32, #tpu.memory_space<vmem>> -> memref<128x128xf32, #tpu.memory_space<vmem>>
      %dma_start3A_1322 = tpu.memref_slice %arg5[%select_n3A_1298, %mul3A_1316] : memref<26x512xi32, #tpu.memory_space<vmem>> -> memref<1x128xi32, #tpu.memory_space<vmem>>
      %dma_start3A_1323 = tpu.memref_squeeze %dma_start3A_1322 : memref<1x128xi32, #tpu.memory_space<vmem>> -> memref<128xi32, #tpu.memory_space<vmem>>
      %dma_start3A_1324 = arith.constant 0 : i32
      %dma_start3A_1325 = arith.constant 0 : i32
      %dma_start3A_1326 = tpu.memref_slice %arg2[%dma_start3A_1324, %dma_start3A_1325] : memref<1000x128xf32, #tpu.memory_space<hbm>> -> memref<1000x128xf32, #tpu.memory_space<hbm>>
      tpu.enqueue_indirect_dma source(%dma_start3A_1326 : memref<1000x128xf32, #tpu.memory_space<hbm>>) target(%dma_start3A_1321 : memref<128x128xf32, #tpu.memory_space<vmem>>) offsets(%dma_start3A_1323 : memref<128xi32, #tpu.memory_space<vmem>>) semaphore(%arg7 : memref<!tpu.dma_semaphore, #tpu.memory_space<semaphore_mem>>)
      %jit3A_1327 = arith.constant 4 : i32
      %div3A_1328 = arith.divsi %add3A_1160, %jit3A_1327 : i32
      %sign3A_1329 = arith.constant 0 : i32
      %sign3A_1330 = arith.cmpi sgt, %add3A_1160, %sign3A_1329 : i32
      %sign3A_1331 = arith.extui %sign3A_1330 : i1 to i32
      %sign3A_1332 = arith.constant 0 : i32
      %sign3A_1333 = arith.cmpi slt, %add3A_1160, %sign3A_1332 : i32
      %sign3A_1334 = arith.extui %sign3A_1333 : i1 to i32
      %sign3A_1335 = arith.subi %sign3A_1331, %sign3A_1334 : i32
      %sign3A_1336 = arith.constant 0 : i32
      %sign3A_1337 = arith.cmpi sgt, %jit3A_1327, %sign3A_1336 : i32
      %sign3A_1338 = arith.extui %sign3A_1337 : i1 to i32
      %sign3A_1339 = arith.constant 0 : i32
      %sign3A_1340 = arith.cmpi slt, %jit3A_1327, %sign3A_1339 : i32
      %sign3A_1341 = arith.extui %sign3A_1340 : i1 to i32
      %sign3A_1342 = arith.subi %sign3A_1338, %sign3A_1341 : i32
      %ne3A_1343 = arith.cmpi ne, %sign3A_1335, %sign3A_1342 : i32
      %rem3A_1344 = arith.remsi %add3A_1160, %jit3A_1327 : i32
      %ne3A_1345 = arith.constant 0 : i32
      %ne3A_1346 = arith.cmpi ne, %rem3A_1344, %ne3A_1345 : i32
      %and3A_1347 = arith.andi %ne3A_1343, %ne3A_1346 : i1
      %sub3A_1348 = arith.constant 1 : i32
      %sub3A_1349 = arith.subi %div3A_1328, %sub3A_1348 : i32
      %select_n3A_1350 = arith.select %and3A_1347, %sub3A_1349, %div3A_1328 : i32
      %jit3A_1351 = arith.constant 4 : i32
      %eq3A_1352 = arith.constant 0 : i32
      %eq3A_1353 = arith.cmpi eq, %jit3A_1351, %eq3A_1352 : i32
      %jit3A_1354 = arith.constant 1 : i32
      %select_n3A_1355 = arith.select %eq3A_1353, %jit3A_1354, %jit3A_1351 : i32
      %rem3A_1356 = arith.remsi %add3A_1160, %select_n3A_1355 : i32
      %ne3A_1357 = arith.constant 0 : i32
      %ne3A_1358 = arith.cmpi ne, %rem3A_1356, %ne3A_1357 : i32
      %lt3A_1359 = arith.constant 0 : i32
      %lt3A_1360 = arith.cmpi slt, %rem3A_1356, %lt3A_1359 : i32
      %lt3A_1361 = arith.constant 0 : i32
      %lt3A_1362 = arith.cmpi slt, %select_n3A_1355, %lt3A_1361 : i32
      %ne3A_1363 = arith.xori %lt3A_1360, %lt3A_1362 : i1
      %and3A_1364 = arith.andi %ne3A_1363, %ne3A_1358 : i1
      %add3A_1365 = arith.addi %rem3A_1356, %select_n3A_1355 : i32
      %select_n3A_1366 = arith.select %and3A_1364, %add3A_1365, %rem3A_1356 : i32
      %mul3A_1367 = arith.constant 128 : i32
      %mul3A_1368 = arith.muli %select_n3A_1366, %mul3A_1367 : i32
      %add3A_1369 = arith.addi %mul3A_2, %mul3A_1368 : i32
      %dma_start3A_1370 = arith.constant 3 : i32
      %dma_start3A_1371 = arith.constant 0 : i32
      %dma_start3A_1372 = arith.constant 0 : i32
      %dma_start3A_1373 = tpu.memref_slice %arg6[%dma_start3A_1370, %dma_start3A_1371, %dma_start3A_1372] : memref<4x128x128xf32, #tpu.memory_space<vmem>> -> memref<1x128x128xf32, #tpu.memory_space<vmem>>
      %dma_start3A_1374 = tpu.memref_squeeze %dma_start3A_1373 : memref<1x128x128xf32, #tpu.memory_space<vmem>> -> memref<128x128xf32, #tpu.memory_space<vmem>>
      %dma_start3A_1375 = arith.constant 0 : i32
      %dma_start3A_1376 = tpu.memref_slice %arg4[%select_n3A_1350, %add3A_1369, %dma_start3A_1375] : memref<26x16384x128xf32, #tpu.memory_space<hbm>> -> memref<1x128x128xf32, #tpu.memory_space<hbm>>
      %dma_start3A_1377 = tpu.memref_squeeze %dma_start3A_1376 : memref<1x128x128xf32, #tpu.memory_space<hbm>> -> memref<128x128xf32, #tpu.memory_space<hbm>>
      %dma_start3A_1378 = arith.constant 0 : i32
      %dma_start3A_1379 = tpu.memref_slice %arg4[%select_n3A_1350, %add3A_1369, %dma_start3A_1378] : memref<26x16384x128xf32, #tpu.memory_space<hbm>> -> memref<1x128x128xf32, #tpu.memory_space<hbm>>
      %dma_start3A_1380 = tpu.memref_squeeze %dma_start3A_1379 : memref<1x128x128xf32, #tpu.memory_space<hbm>> -> memref<128x128xf32, #tpu.memory_space<hbm>>
      %dma_start3A_1381 = arith.constant 0 : i32
      %dma_start3A_1382 = arith.constant 0 : i32
      %dma_start3A_1383 = tpu.memref_slice %arg6[%dma_start3A_1370, %dma_start3A_1381, %dma_start3A_1382] : memref<4x128x128xf32, #tpu.memory_space<vmem>> -> memref<1x128x128xf32, #tpu.memory_space<vmem>>
      %dma_start3A_1384 = tpu.memref_squeeze %dma_start3A_1383 : memref<1x128x128xf32, #tpu.memory_space<vmem>> -> memref<128x128xf32, #tpu.memory_space<vmem>>
      tpu.enqueue_dma source(%dma_start3A_1384 : memref<128x128xf32, #tpu.memory_space<vmem>>) target(%dma_start3A_1380 : memref<128x128xf32, #tpu.memory_space<hbm>>) target_semaphore(%arg14 : memref<!tpu.dma_semaphore, #tpu.memory_space<semaphore_mem>>)
      %scan3A_1385 = arith.constant 0 : i32
      scf.yield %scan3A_1385 : i32
    }
    %scan3A_204 = arith.constant 24 : i32
    %dma_wait3A_205 = arith.constant 25 : i32
    %dma_wait3A_206 = arith.constant 0 : i32
    %dma_wait3A_207 = arith.constant 0 : i32
    %dma_wait3A_208 = arith.constant 0 : i32
    %dma_wait3A_209 = tpu.memref_slice %arg6[%dma_wait3A_206, %dma_wait3A_207, %dma_wait3A_208] : memref<4x128x128xf32, #tpu.memory_space<vmem>> -> memref<1x128x128xf32, #tpu.memory_space<vmem>>
    %dma_wait3A_210 = tpu.memref_squeeze %dma_wait3A_209 : memref<1x128x128xf32, #tpu.memory_space<vmem>> -> memref<128x128xf32, #tpu.memory_space<vmem>>
    %dma_wait3A_211 = arith.constant 0 : i32
    %dma_wait3A_212 = tpu.memref_slice %arg5[%dma_wait3A_205, %dma_wait3A_211] : memref<26x512xi32, #tpu.memory_space<vmem>> -> memref<1x128xi32, #tpu.memory_space<vmem>>
    %dma_wait3A_213 = tpu.memref_squeeze %dma_wait3A_212 : memref<1x128xi32, #tpu.memory_space<vmem>> -> memref<128xi32, #tpu.memory_space<vmem>>
    %dma_wait3A_214 = arith.constant 0 : i32
    %dma_wait3A_215 = arith.constant 0 : i32
    %dma_wait3A_216 = tpu.memref_slice %arg2[%dma_wait3A_214, %dma_wait3A_215] : memref<1000x128xf32, #tpu.memory_space<hbm>> -> memref<1000x128xf32, #tpu.memory_space<hbm>>
    tpu.wait_indirect_dma semaphore(%arg7 : memref<!tpu.dma_semaphore, #tpu.memory_space<semaphore_mem>>) src(%dma_wait3A_216 : memref<1000x128xf32, #tpu.memory_space<hbm>>) dst(%dma_wait3A_210 : memref<128x128xf32, #tpu.memory_space<vmem>>)
    %add3A_217 = arith.constant 128 : i32
    %add3A_218 = arith.addi %mul3A_2, %add3A_217 : i32
    %dma_wait3A_219 = arith.constant 1 : i32
    %dma_wait3A_220 = arith.constant 24 : i32
    %dma_wait3A_221 = arith.constant 0 : i32
    %dma_wait3A_222 = arith.constant 0 : i32
    %dma_wait3A_223 = tpu.memref_slice %arg6[%dma_wait3A_219, %dma_wait3A_221, %dma_wait3A_222] : memref<4x128x128xf32, #tpu.memory_space<vmem>> -> memref<1x128x128xf32, #tpu.memory_space<vmem>>
    %dma_wait3A_224 = tpu.memref_squeeze %dma_wait3A_223 : memref<1x128x128xf32, #tpu.memory_space<vmem>> -> memref<128x128xf32, #tpu.memory_space<vmem>>
    %dma_wait3A_225 = arith.constant 0 : i32
    %dma_wait3A_226 = tpu.memref_slice %arg4[%dma_wait3A_220, %add3A_218, %dma_wait3A_225] : memref<26x16384x128xf32, #tpu.memory_space<hbm>> -> memref<1x128x128xf32, #tpu.memory_space<hbm>>
    %dma_wait3A_227 = tpu.memref_squeeze %dma_wait3A_226 : memref<1x128x128xf32, #tpu.memory_space<hbm>> -> memref<128x128xf32, #tpu.memory_space<hbm>>
    %dma_wait3A_228 = arith.constant 0 : i32
    %dma_wait3A_229 = tpu.memref_slice %arg4[%dma_wait3A_220, %add3A_218, %dma_wait3A_228] : memref<26x16384x128xf32, #tpu.memory_space<hbm>> -> memref<1x128x128xf32, #tpu.memory_space<hbm>>
    %dma_wait3A_230 = tpu.memref_squeeze %dma_wait3A_229 : memref<1x128x128xf32, #tpu.memory_space<hbm>> -> memref<128x128xf32, #tpu.memory_space<hbm>>
    %dma_wait3A_231 = arith.constant 0 : i32
    %dma_wait3A_232 = arith.constant 0 : i32
    %dma_wait3A_233 = tpu.memref_slice %arg6[%dma_wait3A_219, %dma_wait3A_231, %dma_wait3A_232] : memref<4x128x128xf32, #tpu.memory_space<vmem>> -> memref<1x128x128xf32, #tpu.memory_space<vmem>>
    %dma_wait3A_234 = tpu.memref_squeeze %dma_wait3A_233 : memref<1x128x128xf32, #tpu.memory_space<vmem>> -> memref<128x128xf32, #tpu.memory_space<vmem>>
    tpu.wait_dma2 semaphore(%arg12 : memref<!tpu.dma_semaphore, #tpu.memory_space<semaphore_mem>>) src(%dma_wait3A_234 : memref<128x128xf32, #tpu.memory_space<vmem>>) dst(%dma_wait3A_230 : memref<128x128xf32, #tpu.memory_space<hbm>>)
    %dma_start3A_235 = arith.constant 25 : i32
    %dma_start3A_236 = arith.constant 1 : i32
    %dma_start3A_237 = arith.constant 0 : i32
    %dma_start3A_238 = arith.constant 0 : i32
    %dma_start3A_239 = tpu.memref_slice %arg6[%dma_start3A_236, %dma_start3A_237, %dma_start3A_238] : memref<4x128x128xf32, #tpu.memory_space<vmem>> -> memref<1x128x128xf32, #tpu.memory_space<vmem>>
    %dma_start3A_240 = tpu.memref_squeeze %dma_start3A_239 : memref<1x128x128xf32, #tpu.memory_space<vmem>> -> memref<128x128xf32, #tpu.memory_space<vmem>>
    %dma_start3A_241 = arith.constant 128 : i32
    %dma_start3A_242 = tpu.memref_slice %arg5[%dma_start3A_235, %dma_start3A_241] : memref<26x512xi32, #tpu.memory_space<vmem>> -> memref<1x128xi32, #tpu.memory_space<vmem>>
    %dma_start3A_243 = tpu.memref_squeeze %dma_start3A_242 : memref<1x128xi32, #tpu.memory_space<vmem>> -> memref<128xi32, #tpu.memory_space<vmem>>
    %dma_start3A_244 = arith.constant 0 : i32
    %dma_start3A_245 = arith.constant 0 : i32
    %dma_start3A_246 = tpu.memref_slice %arg2[%dma_start3A_244, %dma_start3A_245] : memref<1000x128xf32, #tpu.memory_space<hbm>> -> memref<1000x128xf32, #tpu.memory_space<hbm>>
    tpu.enqueue_indirect_dma source(%dma_start3A_246 : memref<1000x128xf32, #tpu.memory_space<hbm>>) target(%dma_start3A_240 : memref<128x128xf32, #tpu.memory_space<vmem>>) offsets(%dma_start3A_243 : memref<128xi32, #tpu.memory_space<vmem>>) semaphore(%arg8 : memref<!tpu.dma_semaphore, #tpu.memory_space<semaphore_mem>>)
    %add3A_247 = arith.constant 0 : i32
    %add3A_248 = arith.addi %mul3A_2, %add3A_247 : i32
    %dma_start3A_249 = arith.constant 0 : i32
    %dma_start3A_250 = arith.constant 25 : i32
    %dma_start3A_251 = arith.constant 0 : i32
    %dma_start3A_252 = arith.constant 0 : i32
    %dma_start3A_253 = tpu.memref_slice %arg6[%dma_start3A_249, %dma_start3A_251, %dma_start3A_252] : memref<4x128x128xf32, #tpu.memory_space<vmem>> -> memref<1x128x128xf32, #tpu.memory_space<vmem>>
    %dma_start3A_254 = tpu.memref_squeeze %dma_start3A_253 : memref<1x128x128xf32, #tpu.memory_space<vmem>> -> memref<128x128xf32, #tpu.memory_space<vmem>>
    %dma_start3A_255 = arith.constant 0 : i32
    %dma_start3A_256 = tpu.memref_slice %arg4[%dma_start3A_250, %add3A_248, %dma_start3A_255] : memref<26x16384x128xf32, #tpu.memory_space<hbm>> -> memref<1x128x128xf32, #tpu.memory_space<hbm>>
    %dma_start3A_257 = tpu.memref_squeeze %dma_start3A_256 : memref<1x128x128xf32, #tpu.memory_space<hbm>> -> memref<128x128xf32, #tpu.memory_space<hbm>>
    %dma_start3A_258 = arith.constant 0 : i32
    %dma_start3A_259 = tpu.memref_slice %arg4[%dma_start3A_250, %add3A_248, %dma_start3A_258] : memref<26x16384x128xf32, #tpu.memory_space<hbm>> -> memref<1x128x128xf32, #tpu.memory_space<hbm>>
    %dma_start3A_260 = tpu.memref_squeeze %dma_start3A_259 : memref<1x128x128xf32, #tpu.memory_space<hbm>> -> memref<128x128xf32, #tpu.memory_space<hbm>>
    %dma_start3A_261 = arith.constant 0 : i32
    %dma_start3A_262 = arith.constant 0 : i32
    %dma_start3A_263 = tpu.memref_slice %arg6[%dma_start3A_249, %dma_start3A_261, %dma_start3A_262] : memref<4x128x128xf32, #tpu.memory_space<vmem>> -> memref<1x128x128xf32, #tpu.memory_space<vmem>>
    %dma_start3A_264 = tpu.memref_squeeze %dma_start3A_263 : memref<1x128x128xf32, #tpu.memory_space<vmem>> -> memref<128x128xf32, #tpu.memory_space<vmem>>
    tpu.enqueue_dma source(%dma_start3A_264 : memref<128x128xf32, #tpu.memory_space<vmem>>) target(%dma_start3A_260 : memref<128x128xf32, #tpu.memory_space<hbm>>) target_semaphore(%arg11 : memref<!tpu.dma_semaphore, #tpu.memory_space<semaphore_mem>>)
    %dma_wait3A_265 = arith.constant 25 : i32
    %dma_wait3A_266 = arith.constant 1 : i32
    %dma_wait3A_267 = arith.constant 0 : i32
    %dma_wait3A_268 = arith.constant 0 : i32
    %dma_wait3A_269 = tpu.memref_slice %arg6[%dma_wait3A_266, %dma_wait3A_267, %dma_wait3A_268] : memref<4x128x128xf32, #tpu.memory_space<vmem>> -> memref<1x128x128xf32, #tpu.memory_space<vmem>>
    %dma_wait3A_270 = tpu.memref_squeeze %dma_wait3A_269 : memref<1x128x128xf32, #tpu.memory_space<vmem>> -> memref<128x128xf32, #tpu.memory_space<vmem>>
    %dma_wait3A_271 = arith.constant 128 : i32
    %dma_wait3A_272 = tpu.memref_slice %arg5[%dma_wait3A_265, %dma_wait3A_271] : memref<26x512xi32, #tpu.memory_space<vmem>> -> memref<1x128xi32, #tpu.memory_space<vmem>>
    %dma_wait3A_273 = tpu.memref_squeeze %dma_wait3A_272 : memref<1x128xi32, #tpu.memory_space<vmem>> -> memref<128xi32, #tpu.memory_space<vmem>>
    %dma_wait3A_274 = arith.constant 0 : i32
    %dma_wait3A_275 = arith.constant 0 : i32
    %dma_wait3A_276 = tpu.memref_slice %arg2[%dma_wait3A_274, %dma_wait3A_275] : memref<1000x128xf32, #tpu.memory_space<hbm>> -> memref<1000x128xf32, #tpu.memory_space<hbm>>
    tpu.wait_indirect_dma semaphore(%arg8 : memref<!tpu.dma_semaphore, #tpu.memory_space<semaphore_mem>>) src(%dma_wait3A_276 : memref<1000x128xf32, #tpu.memory_space<hbm>>) dst(%dma_wait3A_270 : memref<128x128xf32, #tpu.memory_space<vmem>>)
    %add3A_277 = arith.constant 256 : i32
    %add3A_278 = arith.addi %mul3A_2, %add3A_277 : i32
    %dma_wait3A_279 = arith.constant 2 : i32
    %dma_wait3A_280 = arith.constant 24 : i32
    %dma_wait3A_281 = arith.constant 0 : i32
    %dma_wait3A_282 = arith.constant 0 : i32
    %dma_wait3A_283 = tpu.memref_slice %arg6[%dma_wait3A_279, %dma_wait3A_281, %dma_wait3A_282] : memref<4x128x128xf32, #tpu.memory_space<vmem>> -> memref<1x128x128xf32, #tpu.memory_space<vmem>>
    %dma_wait3A_284 = tpu.memref_squeeze %dma_wait3A_283 : memref<1x128x128xf32, #tpu.memory_space<vmem>> -> memref<128x128xf32, #tpu.memory_space<vmem>>
    %dma_wait3A_285 = arith.constant 0 : i32
    %dma_wait3A_286 = tpu.memref_slice %arg4[%dma_wait3A_280, %add3A_278, %dma_wait3A_285] : memref<26x16384x128xf32, #tpu.memory_space<hbm>> -> memref<1x128x128xf32, #tpu.memory_space<hbm>>
    %dma_wait3A_287 = tpu.memref_squeeze %dma_wait3A_286 : memref<1x128x128xf32, #tpu.memory_space<hbm>> -> memref<128x128xf32, #tpu.memory_space<hbm>>
    %dma_wait3A_288 = arith.constant 0 : i32
    %dma_wait3A_289 = tpu.memref_slice %arg4[%dma_wait3A_280, %add3A_278, %dma_wait3A_288] : memref<26x16384x128xf32, #tpu.memory_space<hbm>> -> memref<1x128x128xf32, #tpu.memory_space<hbm>>
    %dma_wait3A_290 = tpu.memref_squeeze %dma_wait3A_289 : memref<1x128x128xf32, #tpu.memory_space<hbm>> -> memref<128x128xf32, #tpu.memory_space<hbm>>
    %dma_wait3A_291 = arith.constant 0 : i32
    %dma_wait3A_292 = arith.constant 0 : i32
    %dma_wait3A_293 = tpu.memref_slice %arg6[%dma_wait3A_279, %dma_wait3A_291, %dma_wait3A_292] : memref<4x128x128xf32, #tpu.memory_space<vmem>> -> memref<1x128x128xf32, #tpu.memory_space<vmem>>
    %dma_wait3A_294 = tpu.memref_squeeze %dma_wait3A_293 : memref<1x128x128xf32, #tpu.memory_space<vmem>> -> memref<128x128xf32, #tpu.memory_space<vmem>>
    tpu.wait_dma2 semaphore(%arg13 : memref<!tpu.dma_semaphore, #tpu.memory_space<semaphore_mem>>) src(%dma_wait3A_294 : memref<128x128xf32, #tpu.memory_space<vmem>>) dst(%dma_wait3A_290 : memref<128x128xf32, #tpu.memory_space<hbm>>)
    %dma_start3A_295 = arith.constant 25 : i32
    %dma_start3A_296 = arith.constant 2 : i32
    %dma_start3A_297 = arith.constant 0 : i32
    %dma_start3A_298 = arith.constant 0 : i32
    %dma_start3A_299 = tpu.memref_slice %arg6[%dma_start3A_296, %dma_start3A_297, %dma_start3A_298] : memref<4x128x128xf32, #tpu.memory_space<vmem>> -> memref<1x128x128xf32, #tpu.memory_space<vmem>>
    %dma_start3A_300 = tpu.memref_squeeze %dma_start3A_299 : memref<1x128x128xf32, #tpu.memory_space<vmem>> -> memref<128x128xf32, #tpu.memory_space<vmem>>
    %dma_start3A_301 = arith.constant 256 : i32
    %dma_start3A_302 = tpu.memref_slice %arg5[%dma_start3A_295, %dma_start3A_301] : memref<26x512xi32, #tpu.memory_space<vmem>> -> memref<1x128xi32, #tpu.memory_space<vmem>>
    %dma_start3A_303 = tpu.memref_squeeze %dma_start3A_302 : memref<1x128xi32, #tpu.memory_space<vmem>> -> memref<128xi32, #tpu.memory_space<vmem>>
    %dma_start3A_304 = arith.constant 0 : i32
    %dma_start3A_305 = arith.constant 0 : i32
    %dma_start3A_306 = tpu.memref_slice %arg2[%dma_start3A_304, %dma_start3A_305] : memref<1000x128xf32, #tpu.memory_space<hbm>> -> memref<1000x128xf32, #tpu.memory_space<hbm>>
    tpu.enqueue_indirect_dma source(%dma_start3A_306 : memref<1000x128xf32, #tpu.memory_space<hbm>>) target(%dma_start3A_300 : memref<128x128xf32, #tpu.memory_space<vmem>>) offsets(%dma_start3A_303 : memref<128xi32, #tpu.memory_space<vmem>>) semaphore(%arg9 : memref<!tpu.dma_semaphore, #tpu.memory_space<semaphore_mem>>)
    %add3A_307 = arith.constant 128 : i32
    %add3A_308 = arith.addi %mul3A_2, %add3A_307 : i32
    %dma_start3A_309 = arith.constant 1 : i32
    %dma_start3A_310 = arith.constant 25 : i32
    %dma_start3A_311 = arith.constant 0 : i32
    %dma_start3A_312 = arith.constant 0 : i32
    %dma_start3A_313 = tpu.memref_slice %arg6[%dma_start3A_309, %dma_start3A_311, %dma_start3A_312] : memref<4x128x128xf32, #tpu.memory_space<vmem>> -> memref<1x128x128xf32, #tpu.memory_space<vmem>>
    %dma_start3A_314 = tpu.memref_squeeze %dma_start3A_313 : memref<1x128x128xf32, #tpu.memory_space<vmem>> -> memref<128x128xf32, #tpu.memory_space<vmem>>
    %dma_start3A_315 = arith.constant 0 : i32
    %dma_start3A_316 = tpu.memref_slice %arg4[%dma_start3A_310, %add3A_308, %dma_start3A_315] : memref<26x16384x128xf32, #tpu.memory_space<hbm>> -> memref<1x128x128xf32, #tpu.memory_space<hbm>>
    %dma_start3A_317 = tpu.memref_squeeze %dma_start3A_316 : memref<1x128x128xf32, #tpu.memory_space<hbm>> -> memref<128x128xf32, #tpu.memory_space<hbm>>
    %dma_start3A_318 = arith.constant 0 : i32
    %dma_start3A_319 = tpu.memref_slice %arg4[%dma_start3A_310, %add3A_308, %dma_start3A_318] : memref<26x16384x128xf32, #tpu.memory_space<hbm>> -> memref<1x128x128xf32, #tpu.memory_space<hbm>>
    %dma_start3A_320 = tpu.memref_squeeze %dma_start3A_319 : memref<1x128x128xf32, #tpu.memory_space<hbm>> -> memref<128x128xf32, #tpu.memory_space<hbm>>
    %dma_start3A_321 = arith.constant 0 : i32
    %dma_start3A_322 = arith.constant 0 : i32
    %dma_start3A_323 = tpu.memref_slice %arg6[%dma_start3A_309, %dma_start3A_321, %dma_start3A_322] : memref<4x128x128xf32, #tpu.memory_space<vmem>> -> memref<1x128x128xf32, #tpu.memory_space<vmem>>
    %dma_start3A_324 = tpu.memref_squeeze %dma_start3A_323 : memref<1x128x128xf32, #tpu.memory_space<vmem>> -> memref<128x128xf32, #tpu.memory_space<vmem>>
    tpu.enqueue_dma source(%dma_start3A_324 : memref<128x128xf32, #tpu.memory_space<vmem>>) target(%dma_start3A_320 : memref<128x128xf32, #tpu.memory_space<hbm>>) target_semaphore(%arg12 : memref<!tpu.dma_semaphore, #tpu.memory_space<semaphore_mem>>)
    %dma_wait3A_325 = arith.constant 25 : i32
    %dma_wait3A_326 = arith.constant 2 : i32
    %dma_wait3A_327 = arith.constant 0 : i32
    %dma_wait3A_328 = arith.constant 0 : i32
    %dma_wait3A_329 = tpu.memref_slice %arg6[%dma_wait3A_326, %dma_wait3A_327, %dma_wait3A_328] : memref<4x128x128xf32, #tpu.memory_space<vmem>> -> memref<1x128x128xf32, #tpu.memory_space<vmem>>
    %dma_wait3A_330 = tpu.memref_squeeze %dma_wait3A_329 : memref<1x128x128xf32, #tpu.memory_space<vmem>> -> memref<128x128xf32, #tpu.memory_space<vmem>>
    %dma_wait3A_331 = arith.constant 256 : i32
    %dma_wait3A_332 = tpu.memref_slice %arg5[%dma_wait3A_325, %dma_wait3A_331] : memref<26x512xi32, #tpu.memory_space<vmem>> -> memref<1x128xi32, #tpu.memory_space<vmem>>
    %dma_wait3A_333 = tpu.memref_squeeze %dma_wait3A_332 : memref<1x128xi32, #tpu.memory_space<vmem>> -> memref<128xi32, #tpu.memory_space<vmem>>
    %dma_wait3A_334 = arith.constant 0 : i32
    %dma_wait3A_335 = arith.constant 0 : i32
    %dma_wait3A_336 = tpu.memref_slice %arg2[%dma_wait3A_334, %dma_wait3A_335] : memref<1000x128xf32, #tpu.memory_space<hbm>> -> memref<1000x128xf32, #tpu.memory_space<hbm>>
    tpu.wait_indirect_dma semaphore(%arg9 : memref<!tpu.dma_semaphore, #tpu.memory_space<semaphore_mem>>) src(%dma_wait3A_336 : memref<1000x128xf32, #tpu.memory_space<hbm>>) dst(%dma_wait3A_330 : memref<128x128xf32, #tpu.memory_space<vmem>>)
    %add3A_337 = arith.constant 384 : i32
    %add3A_338 = arith.addi %mul3A_2, %add3A_337 : i32
    %dma_wait3A_339 = arith.constant 3 : i32
    %dma_wait3A_340 = arith.constant 24 : i32
    %dma_wait3A_341 = arith.constant 0 : i32
    %dma_wait3A_342 = arith.constant 0 : i32
    %dma_wait3A_343 = tpu.memref_slice %arg6[%dma_wait3A_339, %dma_wait3A_341, %dma_wait3A_342] : memref<4x128x128xf32, #tpu.memory_space<vmem>> -> memref<1x128x128xf32, #tpu.memory_space<vmem>>
    %dma_wait3A_344 = tpu.memref_squeeze %dma_wait3A_343 : memref<1x128x128xf32, #tpu.memory_space<vmem>> -> memref<128x128xf32, #tpu.memory_space<vmem>>
    %dma_wait3A_345 = arith.constant 0 : i32
    %dma_wait3A_346 = tpu.memref_slice %arg4[%dma_wait3A_340, %add3A_338, %dma_wait3A_345] : memref<26x16384x128xf32, #tpu.memory_space<hbm>> -> memref<1x128x128xf32, #tpu.memory_space<hbm>>
    %dma_wait3A_347 = tpu.memref_squeeze %dma_wait3A_346 : memref<1x128x128xf32, #tpu.memory_space<hbm>> -> memref<128x128xf32, #tpu.memory_space<hbm>>
    %dma_wait3A_348 = arith.constant 0 : i32
    %dma_wait3A_349 = tpu.memref_slice %arg4[%dma_wait3A_340, %add3A_338, %dma_wait3A_348] : memref<26x16384x128xf32, #tpu.memory_space<hbm>> -> memref<1x128x128xf32, #tpu.memory_space<hbm>>
    %dma_wait3A_350 = tpu.memref_squeeze %dma_wait3A_349 : memref<1x128x128xf32, #tpu.memory_space<hbm>> -> memref<128x128xf32, #tpu.memory_space<hbm>>
    %dma_wait3A_351 = arith.constant 0 : i32
    %dma_wait3A_352 = arith.constant 0 : i32
    %dma_wait3A_353 = tpu.memref_slice %arg6[%dma_wait3A_339, %dma_wait3A_351, %dma_wait3A_352] : memref<4x128x128xf32, #tpu.memory_space<vmem>> -> memref<1x128x128xf32, #tpu.memory_space<vmem>>
    %dma_wait3A_354 = tpu.memref_squeeze %dma_wait3A_353 : memref<1x128x128xf32, #tpu.memory_space<vmem>> -> memref<128x128xf32, #tpu.memory_space<vmem>>
    tpu.wait_dma2 semaphore(%arg14 : memref<!tpu.dma_semaphore, #tpu.memory_space<semaphore_mem>>) src(%dma_wait3A_354 : memref<128x128xf32, #tpu.memory_space<vmem>>) dst(%dma_wait3A_350 : memref<128x128xf32, #tpu.memory_space<hbm>>)
    %dma_start3A_355 = arith.constant 25 : i32
    %dma_start3A_356 = arith.constant 3 : i32
    %dma_start3A_357 = arith.constant 0 : i32
    %dma_start3A_358 = arith.constant 0 : i32
    %dma_start3A_359 = tpu.memref_slice %arg6[%dma_start3A_356, %dma_start3A_357, %dma_start3A_358] : memref<4x128x128xf32, #tpu.memory_space<vmem>> -> memref<1x128x128xf32, #tpu.memory_space<vmem>>
    %dma_start3A_360 = tpu.memref_squeeze %dma_start3A_359 : memref<1x128x128xf32, #tpu.memory_space<vmem>> -> memref<128x128xf32, #tpu.memory_space<vmem>>
    %dma_start3A_361 = arith.constant 384 : i32
    %dma_start3A_362 = tpu.memref_slice %arg5[%dma_start3A_355, %dma_start3A_361] : memref<26x512xi32, #tpu.memory_space<vmem>> -> memref<1x128xi32, #tpu.memory_space<vmem>>
    %dma_start3A_363 = tpu.memref_squeeze %dma_start3A_362 : memref<1x128xi32, #tpu.memory_space<vmem>> -> memref<128xi32, #tpu.memory_space<vmem>>
    %dma_start3A_364 = arith.constant 0 : i32
    %dma_start3A_365 = arith.constant 0 : i32
    %dma_start3A_366 = tpu.memref_slice %arg2[%dma_start3A_364, %dma_start3A_365] : memref<1000x128xf32, #tpu.memory_space<hbm>> -> memref<1000x128xf32, #tpu.memory_space<hbm>>
    tpu.enqueue_indirect_dma source(%dma_start3A_366 : memref<1000x128xf32, #tpu.memory_space<hbm>>) target(%dma_start3A_360 : memref<128x128xf32, #tpu.memory_space<vmem>>) offsets(%dma_start3A_363 : memref<128xi32, #tpu.memory_space<vmem>>) semaphore(%arg10 : memref<!tpu.dma_semaphore, #tpu.memory_space<semaphore_mem>>)
    %add3A_367 = arith.constant 256 : i32
    %add3A_368 = arith.addi %mul3A_2, %add3A_367 : i32
    %dma_start3A_369 = arith.constant 2 : i32
    %dma_start3A_370 = arith.constant 25 : i32
    %dma_start3A_371 = arith.constant 0 : i32
    %dma_start3A_372 = arith.constant 0 : i32
    %dma_start3A_373 = tpu.memref_slice %arg6[%dma_start3A_369, %dma_start3A_371, %dma_start3A_372] : memref<4x128x128xf32, #tpu.memory_space<vmem>> -> memref<1x128x128xf32, #tpu.memory_space<vmem>>
    %dma_start3A_374 = tpu.memref_squeeze %dma_start3A_373 : memref<1x128x128xf32, #tpu.memory_space<vmem>> -> memref<128x128xf32, #tpu.memory_space<vmem>>
    %dma_start3A_375 = arith.constant 0 : i32
    %dma_start3A_376 = tpu.memref_slice %arg4[%dma_start3A_370, %add3A_368, %dma_start3A_375] : memref<26x16384x128xf32, #tpu.memory_space<hbm>> -> memref<1x128x128xf32, #tpu.memory_space<hbm>>
    %dma_start3A_377 = tpu.memref_squeeze %dma_start3A_376 : memref<1x128x128xf32, #tpu.memory_space<hbm>> -> memref<128x128xf32, #tpu.memory_space<hbm>>
    %dma_start3A_378 = arith.constant 0 : i32
    %dma_start3A_379 = tpu.memref_slice %arg4[%dma_start3A_370, %add3A_368, %dma_start3A_378] : memref<26x16384x128xf32, #tpu.memory_space<hbm>> -> memref<1x128x128xf32, #tpu.memory_space<hbm>>
    %dma_start3A_380 = tpu.memref_squeeze %dma_start3A_379 : memref<1x128x128xf32, #tpu.memory_space<hbm>> -> memref<128x128xf32, #tpu.memory_space<hbm>>
    %dma_start3A_381 = arith.constant 0 : i32
    %dma_start3A_382 = arith.constant 0 : i32
    %dma_start3A_383 = tpu.memref_slice %arg6[%dma_start3A_369, %dma_start3A_381, %dma_start3A_382] : memref<4x128x128xf32, #tpu.memory_space<vmem>> -> memref<1x128x128xf32, #tpu.memory_space<vmem>>
    %dma_start3A_384 = tpu.memref_squeeze %dma_start3A_383 : memref<1x128x128xf32, #tpu.memory_space<vmem>> -> memref<128x128xf32, #tpu.memory_space<vmem>>
    tpu.enqueue_dma source(%dma_start3A_384 : memref<128x128xf32, #tpu.memory_space<vmem>>) target(%dma_start3A_380 : memref<128x128xf32, #tpu.memory_space<hbm>>) target_semaphore(%arg13 : memref<!tpu.dma_semaphore, #tpu.memory_space<semaphore_mem>>)
    %dma_wait3A_385 = arith.constant 25 : i32
    %dma_wait3A_386 = arith.constant 3 : i32
    %dma_wait3A_387 = arith.constant 0 : i32
    %dma_wait3A_388 = arith.constant 0 : i32
    %dma_wait3A_389 = tpu.memref_slice %arg6[%dma_wait3A_386, %dma_wait3A_387, %dma_wait3A_388] : memref<4x128x128xf32, #tpu.memory_space<vmem>> -> memref<1x128x128xf32, #tpu.memory_space<vmem>>
    %dma_wait3A_390 = tpu.memref_squeeze %dma_wait3A_389 : memref<1x128x128xf32, #tpu.memory_space<vmem>> -> memref<128x128xf32, #tpu.memory_space<vmem>>
    %dma_wait3A_391 = arith.constant 384 : i32
    %dma_wait3A_392 = tpu.memref_slice %arg5[%dma_wait3A_385, %dma_wait3A_391] : memref<26x512xi32, #tpu.memory_space<vmem>> -> memref<1x128xi32, #tpu.memory_space<vmem>>
    %dma_wait3A_393 = tpu.memref_squeeze %dma_wait3A_392 : memref<1x128xi32, #tpu.memory_space<vmem>> -> memref<128xi32, #tpu.memory_space<vmem>>
    %dma_wait3A_394 = arith.constant 0 : i32
    %dma_wait3A_395 = arith.constant 0 : i32
    %dma_wait3A_396 = tpu.memref_slice %arg2[%dma_wait3A_394, %dma_wait3A_395] : memref<1000x128xf32, #tpu.memory_space<hbm>> -> memref<1000x128xf32, #tpu.memory_space<hbm>>
    tpu.wait_indirect_dma semaphore(%arg10 : memref<!tpu.dma_semaphore, #tpu.memory_space<semaphore_mem>>) src(%dma_wait3A_396 : memref<1000x128xf32, #tpu.memory_space<hbm>>) dst(%dma_wait3A_390 : memref<128x128xf32, #tpu.memory_space<vmem>>)
    %add3A_397 = arith.constant 0 : i32
    %add3A_398 = arith.addi %mul3A_2, %add3A_397 : i32
    %dma_wait3A_399 = arith.constant 0 : i32
    %dma_wait3A_400 = arith.constant 25 : i32
    %dma_wait3A_401 = arith.constant 0 : i32
    %dma_wait3A_402 = arith.constant 0 : i32
    %dma_wait3A_403 = tpu.memref_slice %arg6[%dma_wait3A_399, %dma_wait3A_401, %dma_wait3A_402] : memref<4x128x128xf32, #tpu.memory_space<vmem>> -> memref<1x128x128xf32, #tpu.memory_space<vmem>>
    %dma_wait3A_404 = tpu.memref_squeeze %dma_wait3A_403 : memref<1x128x128xf32, #tpu.memory_space<vmem>> -> memref<128x128xf32, #tpu.memory_space<vmem>>
    %dma_wait3A_405 = arith.constant 0 : i32
    %dma_wait3A_406 = tpu.memref_slice %arg4[%dma_wait3A_400, %add3A_398, %dma_wait3A_405] : memref<26x16384x128xf32, #tpu.memory_space<hbm>> -> memref<1x128x128xf32, #tpu.memory_space<hbm>>
    %dma_wait3A_407 = tpu.memref_squeeze %dma_wait3A_406 : memref<1x128x128xf32, #tpu.memory_space<hbm>> -> memref<128x128xf32, #tpu.memory_space<hbm>>
    %dma_wait3A_408 = arith.constant 0 : i32
    %dma_wait3A_409 = tpu.memref_slice %arg4[%dma_wait3A_400, %add3A_398, %dma_wait3A_408] : memref<26x16384x128xf32, #tpu.memory_space<hbm>> -> memref<1x128x128xf32, #tpu.memory_space<hbm>>
    %dma_wait3A_410 = tpu.memref_squeeze %dma_wait3A_409 : memref<1x128x128xf32, #tpu.memory_space<hbm>> -> memref<128x128xf32, #tpu.memory_space<hbm>>
    %dma_wait3A_411 = arith.constant 0 : i32
    %dma_wait3A_412 = arith.constant 0 : i32
    %dma_wait3A_413 = tpu.memref_slice %arg6[%dma_wait3A_399, %dma_wait3A_411, %dma_wait3A_412] : memref<4x128x128xf32, #tpu.memory_space<vmem>> -> memref<1x128x128xf32, #tpu.memory_space<vmem>>
    %dma_wait3A_414 = tpu.memref_squeeze %dma_wait3A_413 : memref<1x128x128xf32, #tpu.memory_space<vmem>> -> memref<128x128xf32, #tpu.memory_space<vmem>>
    tpu.wait_dma2 semaphore(%arg11 : memref<!tpu.dma_semaphore, #tpu.memory_space<semaphore_mem>>) src(%dma_wait3A_414 : memref<128x128xf32, #tpu.memory_space<vmem>>) dst(%dma_wait3A_410 : memref<128x128xf32, #tpu.memory_space<hbm>>)
    %add3A_415 = arith.constant 384 : i32
    %add3A_416 = arith.addi %mul3A_2, %add3A_415 : i32
    %dma_start3A_417 = arith.constant 3 : i32
    %dma_start3A_418 = arith.constant 25 : i32
    %dma_start3A_419 = arith.constant 0 : i32
    %dma_start3A_420 = arith.constant 0 : i32
    %dma_start3A_421 = tpu.memref_slice %arg6[%dma_start3A_417, %dma_start3A_419, %dma_start3A_420] : memref<4x128x128xf32, #tpu.memory_space<vmem>> -> memref<1x128x128xf32, #tpu.memory_space<vmem>>
    %dma_start3A_422 = tpu.memref_squeeze %dma_start3A_421 : memref<1x128x128xf32, #tpu.memory_space<vmem>> -> memref<128x128xf32, #tpu.memory_space<vmem>>
    %dma_start3A_423 = arith.constant 0 : i32
    %dma_start3A_424 = tpu.memref_slice %arg4[%dma_start3A_418, %add3A_416, %dma_start3A_423] : memref<26x16384x128xf32, #tpu.memory_space<hbm>> -> memref<1x128x128xf32, #tpu.memory_space<hbm>>
    %dma_start3A_425 = tpu.memref_squeeze %dma_start3A_424 : memref<1x128x128xf32, #tpu.memory_space<hbm>> -> memref<128x128xf32, #tpu.memory_space<hbm>>
    %dma_start3A_426 = arith.constant 0 : i32
    %dma_start3A_427 = tpu.memref_slice %arg4[%dma_start3A_418, %add3A_416, %dma_start3A_426] : memref<26x16384x128xf32, #tpu.memory_space<hbm>> -> memref<1x128x128xf32, #tpu.memory_space<hbm>>
    %dma_start3A_428 = tpu.memref_squeeze %dma_start3A_427 : memref<1x128x128xf32, #tpu.memory_space<hbm>> -> memref<128x128xf32, #tpu.memory_space<hbm>>
    %dma_start3A_429 = arith.constant 0 : i32
    %dma_start3A_430 = arith.constant 0 : i32
    %dma_start3A_431 = tpu.memref_slice %arg6[%dma_start3A_417, %dma_start3A_429, %dma_start3A_430] : memref<4x128x128xf32, #tpu.memory_space<vmem>> -> memref<1x128x128xf32, #tpu.memory_space<vmem>>
    %dma_start3A_432 = tpu.memref_squeeze %dma_start3A_431 : memref<1x128x128xf32, #tpu.memory_space<vmem>> -> memref<128x128xf32, #tpu.memory_space<vmem>>
    tpu.enqueue_dma source(%dma_start3A_432 : memref<128x128xf32, #tpu.memory_space<vmem>>) target(%dma_start3A_428 : memref<128x128xf32, #tpu.memory_space<hbm>>) target_semaphore(%arg14 : memref<!tpu.dma_semaphore, #tpu.memory_space<semaphore_mem>>)
    %add3A_433 = arith.constant 128 : i32
    %add3A_434 = arith.addi %mul3A_2, %add3A_433 : i32
    %dma_wait3A_435 = arith.constant 1 : i32
    %dma_wait3A_436 = arith.constant 25 : i32
    %dma_wait3A_437 = arith.constant 0 : i32
    %dma_wait3A_438 = arith.constant 0 : i32
    %dma_wait3A_439 = tpu.memref_slice %arg6[%dma_wait3A_435, %dma_wait3A_437, %dma_wait3A_438] : memref<4x128x128xf32, #tpu.memory_space<vmem>> -> memref<1x128x128xf32, #tpu.memory_space<vmem>>
    %dma_wait3A_440 = tpu.memref_squeeze %dma_wait3A_439 : memref<1x128x128xf32, #tpu.memory_space<vmem>> -> memref<128x128xf32, #tpu.memory_space<vmem>>
    %dma_wait3A_441 = arith.constant 0 : i32
    %dma_wait3A_442 = tpu.memref_slice %arg4[%dma_wait3A_436, %add3A_434, %dma_wait3A_441] : memref<26x16384x128xf32, #tpu.memory_space<hbm>> -> memref<1x128x128xf32, #tpu.memory_space<hbm>>
    %dma_wait3A_443 = tpu.memref_squeeze %dma_wait3A_442 : memref<1x128x128xf32, #tpu.memory_space<hbm>> -> memref<128x128xf32, #tpu.memory_space<hbm>>
    %dma_wait3A_444 = arith.constant 0 : i32
    %dma_wait3A_445 = tpu.memref_slice %arg4[%dma_wait3A_436, %add3A_434, %dma_wait3A_444] : memref<26x16384x128xf32, #tpu.memory_space<hbm>> -> memref<1x128x128xf32, #tpu.memory_space<hbm>>
    %dma_wait3A_446 = tpu.memref_squeeze %dma_wait3A_445 : memref<1x128x128xf32, #tpu.memory_space<hbm>> -> memref<128x128xf32, #tpu.memory_space<hbm>>
    %dma_wait3A_447 = arith.constant 0 : i32
    %dma_wait3A_448 = arith.constant 0 : i32
    %dma_wait3A_449 = tpu.memref_slice %arg6[%dma_wait3A_435, %dma_wait3A_447, %dma_wait3A_448] : memref<4x128x128xf32, #tpu.memory_space<vmem>> -> memref<1x128x128xf32, #tpu.memory_space<vmem>>
    %dma_wait3A_450 = tpu.memref_squeeze %dma_wait3A_449 : memref<1x128x128xf32, #tpu.memory_space<vmem>> -> memref<128x128xf32, #tpu.memory_space<vmem>>
    tpu.wait_dma2 semaphore(%arg12 : memref<!tpu.dma_semaphore, #tpu.memory_space<semaphore_mem>>) src(%dma_wait3A_450 : memref<128x128xf32, #tpu.memory_space<vmem>>) dst(%dma_wait3A_446 : memref<128x128xf32, #tpu.memory_space<hbm>>)
    %add3A_451 = arith.constant 256 : i32
    %add3A_452 = arith.addi %mul3A_2, %add3A_451 : i32
    %dma_wait3A_453 = arith.constant 2 : i32
    %dma_wait3A_454 = arith.constant 25 : i32
    %dma_wait3A_455 = arith.constant 0 : i32
    %dma_wait3A_456 = arith.constant 0 : i32
    %dma_wait3A_457 = tpu.memref_slice %arg6[%dma_wait3A_453, %dma_wait3A_455, %dma_wait3A_456] : memref<4x128x128xf32, #tpu.memory_space<vmem>> -> memref<1x128x128xf32, #tpu.memory_space<vmem>>
    %dma_wait3A_458 = tpu.memref_squeeze %dma_wait3A_457 : memref<1x128x128xf32, #tpu.memory_space<vmem>> -> memref<128x128xf32, #tpu.memory_space<vmem>>
    %dma_wait3A_459 = arith.constant 0 : i32
    %dma_wait3A_460 = tpu.memref_slice %arg4[%dma_wait3A_454, %add3A_452, %dma_wait3A_459] : memref<26x16384x128xf32, #tpu.memory_space<hbm>> -> memref<1x128x128xf32, #tpu.memory_space<hbm>>
    %dma_wait3A_461 = tpu.memref_squeeze %dma_wait3A_460 : memref<1x128x128xf32, #tpu.memory_space<hbm>> -> memref<128x128xf32, #tpu.memory_space<hbm>>
    %dma_wait3A_462 = arith.constant 0 : i32
    %dma_wait3A_463 = tpu.memref_slice %arg4[%dma_wait3A_454, %add3A_452, %dma_wait3A_462] : memref<26x16384x128xf32, #tpu.memory_space<hbm>> -> memref<1x128x128xf32, #tpu.memory_space<hbm>>
    %dma_wait3A_464 = tpu.memref_squeeze %dma_wait3A_463 : memref<1x128x128xf32, #tpu.memory_space<hbm>> -> memref<128x128xf32, #tpu.memory_space<hbm>>
    %dma_wait3A_465 = arith.constant 0 : i32
    %dma_wait3A_466 = arith.constant 0 : i32
    %dma_wait3A_467 = tpu.memref_slice %arg6[%dma_wait3A_453, %dma_wait3A_465, %dma_wait3A_466] : memref<4x128x128xf32, #tpu.memory_space<vmem>> -> memref<1x128x128xf32, #tpu.memory_space<vmem>>
    %dma_wait3A_468 = tpu.memref_squeeze %dma_wait3A_467 : memref<1x128x128xf32, #tpu.memory_space<vmem>> -> memref<128x128xf32, #tpu.memory_space<vmem>>
    tpu.wait_dma2 semaphore(%arg13 : memref<!tpu.dma_semaphore, #tpu.memory_space<semaphore_mem>>) src(%dma_wait3A_468 : memref<128x128xf32, #tpu.memory_space<vmem>>) dst(%dma_wait3A_464 : memref<128x128xf32, #tpu.memory_space<hbm>>)
    %add3A_469 = arith.constant 384 : i32
    %add3A_470 = arith.addi %mul3A_2, %add3A_469 : i32
    %dma_wait3A_471 = arith.constant 3 : i32
    %dma_wait3A_472 = arith.constant 25 : i32
    %dma_wait3A_473 = arith.constant 0 : i32
    %dma_wait3A_474 = arith.constant 0 : i32
    %dma_wait3A_475 = tpu.memref_slice %arg6[%dma_wait3A_471, %dma_wait3A_473, %dma_wait3A_474] : memref<4x128x128xf32, #tpu.memory_space<vmem>> -> memref<1x128x128xf32, #tpu.memory_space<vmem>>
    %dma_wait3A_476 = tpu.memref_squeeze %dma_wait3A_475 : memref<1x128x128xf32, #tpu.memory_space<vmem>> -> memref<128x128xf32, #tpu.memory_space<vmem>>
    %dma_wait3A_477 = arith.constant 0 : i32
    %dma_wait3A_478 = tpu.memref_slice %arg4[%dma_wait3A_472, %add3A_470, %dma_wait3A_477] : memref<26x16384x128xf32, #tpu.memory_space<hbm>> -> memref<1x128x128xf32, #tpu.memory_space<hbm>>
    %dma_wait3A_479 = tpu.memref_squeeze %dma_wait3A_478 : memref<1x128x128xf32, #tpu.memory_space<hbm>> -> memref<128x128xf32, #tpu.memory_space<hbm>>
    %dma_wait3A_480 = arith.constant 0 : i32
    %dma_wait3A_481 = tpu.memref_slice %arg4[%dma_wait3A_472, %add3A_470, %dma_wait3A_480] : memref<26x16384x128xf32, #tpu.memory_space<hbm>> -> memref<1x128x128xf32, #tpu.memory_space<hbm>>
    %dma_wait3A_482 = tpu.memref_squeeze %dma_wait3A_481 : memref<1x128x128xf32, #tpu.memory_space<hbm>> -> memref<128x128xf32, #tpu.memory_space<hbm>>
    %dma_wait3A_483 = arith.constant 0 : i32
    %dma_wait3A_484 = arith.constant 0 : i32
    %dma_wait3A_485 = tpu.memref_slice %arg6[%dma_wait3A_471, %dma_wait3A_483, %dma_wait3A_484] : memref<4x128x128xf32, #tpu.memory_space<vmem>> -> memref<1x128x128xf32, #tpu.memory_space<vmem>>
    %dma_wait3A_486 = tpu.memref_squeeze %dma_wait3A_485 : memref<1x128x128xf32, #tpu.memory_space<vmem>> -> memref<128x128xf32, #tpu.memory_space<vmem>>
    tpu.wait_dma2 semaphore(%arg14 : memref<!tpu.dma_semaphore, #tpu.memory_space<semaphore_mem>>) src(%dma_wait3A_486 : memref<128x128xf32, #tpu.memory_space<vmem>>) dst(%dma_wait3A_482 : memref<128x128xf32, #tpu.memory_space<hbm>>)
    return
  }
}

module attributes {stable_mosaic.version = 14 : i64} {
  func.func @_ln_table_kernel(%arg0: memref<1000x128xf32, #tpu.memory_space<vmem>>, %arg1: memref<1x128xf32, #tpu.memory_space<vmem>>, %arg2: memref<1x128xf32, #tpu.memory_space<vmem>>, %arg3: memref<1000x128xf32, #tpu.memory_space<vmem>>) attributes {dimension_semantics = [], scalar_prefetch = 0 : i64, scratch_operands = 0 : i64, tpu.core_type = #tpu.core_type<tc>} {
    %get3A = arith.constant 0 : index
    %get3A_0 = arith.constant 0 : index
    %get3A_1 = vector.load %arg0[%get3A, %get3A_0] : memref<1000x128xf32, #tpu.memory_space<vmem>>, vector<1000x128xf32>
    %reduce_sum3A = arith.constant dense<0.000000e+00> : vector<1000xf32>
    %reduce_sum3A_2 = vector.multi_reduction <add>, %get3A_1, %reduce_sum3A [1] : vector<1000x128xf32> to vector<1000xf32>
    %broadcast_in_dim3A = vector.shape_cast %reduce_sum3A_2 : vector<1000xf32> to vector<1000x1xf32>
    %div3A = arith.constant 1.280000e+02 : f32
    %div3A_3 = vector.broadcast %div3A : f32 to vector<1000x1xf32>
    %div3A_4 = arith.divf %broadcast_in_dim3A, %div3A_3 : vector<1000x1xf32>
    %sub3A = vector.broadcast %div3A_4 : vector<1000x1xf32> to vector<1000x128xf32>
    %sub3A_5 = arith.subf %get3A_1, %sub3A : vector<1000x128xf32>
    %mul3A = arith.mulf %sub3A_5, %sub3A_5 : vector<1000x128xf32>
    %reduce_sum3A_6 = arith.constant dense<0.000000e+00> : vector<1000xf32>
    %reduce_sum3A_7 = vector.multi_reduction <add>, %mul3A, %reduce_sum3A_6 [1] : vector<1000x128xf32> to vector<1000xf32>
    %broadcast_in_dim3A_8 = vector.shape_cast %reduce_sum3A_7 : vector<1000xf32> to vector<1000x1xf32>
    %div3A_9 = arith.constant 1.280000e+02 : f32
    %div3A_10 = vector.broadcast %div3A_9 : f32 to vector<1000x1xf32>
    %div3A_11 = arith.divf %broadcast_in_dim3A_8, %div3A_10 : vector<1000x1xf32>
    %add3A = arith.constant 9.99999974E-6 : f32
    %add3A_12 = vector.broadcast %add3A : f32 to vector<1000x1xf32>
    %add3A_13 = arith.addf %div3A_11, %add3A_12 : vector<1000x1xf32>
    %rsqrt3A = math.rsqrt %add3A_13 : vector<1000x1xf32>
    %mul3A_14 = vector.broadcast %rsqrt3A : vector<1000x1xf32> to vector<1000x128xf32>
    %mul3A_15 = arith.mulf %sub3A_5, %mul3A_14 : vector<1000x128xf32>
    %get3A_16 = arith.constant 0 : index
    %get3A_17 = arith.constant 0 : index
    %get3A_18 = vector.load %arg1[%get3A_16, %get3A_17] : memref<1x128xf32, #tpu.memory_space<vmem>>, vector<1x128xf32>
    %mul3A_19 = vector.broadcast %get3A_18 : vector<1x128xf32> to vector<1000x128xf32>
    %mul3A_20 = arith.mulf %mul3A_15, %mul3A_19 : vector<1000x128xf32>
    %get3A_21 = arith.constant 0 : index
    %get3A_22 = arith.constant 0 : index
    %get3A_23 = vector.load %arg2[%get3A_21, %get3A_22] : memref<1x128xf32, #tpu.memory_space<vmem>>, vector<1x128xf32>
    %add3A_24 = vector.broadcast %get3A_23 : vector<1x128xf32> to vector<1000x128xf32>
    %add3A_25 = arith.addf %mul3A_20, %add3A_24 : vector<1000x128xf32>
    %swap3A = arith.constant 0 : index
    %swap3A_26 = arith.constant 0 : index
    %swap3A_27 = vector.load %arg3[%swap3A, %swap3A_26] : memref<1000x128xf32, #tpu.memory_space<vmem>>, vector<1000x128xf32>
    tpu.vector_store %arg3[%swap3A, %swap3A_26], %add3A_25 {strides = array<i32>} : memref<1000x128xf32, #tpu.memory_space<vmem>>, vector<1000x128xf32>,
    return
  }
}

</mosaic_0001>

<sc_bundles>
// kernel: kernel.4.cloned.1.call-start
scs
__scs_entry_jumppad:
0x0: {  	(pc) =	sbr.rel $0x88, $3  }
0x1: {  	(tag) =	ssettag $0x0;
	lr =	simm.s32 $0x1  }
0x2: {  	[smem:$0x3F9D] =	sst lr;
	_ =	strace $0xD0000000  }
0x3: {  	_ = 	snop  }
0x4: {  	_ = 	snop  }
0x5: {  	_ = 	snop  }
0x6: {  	_ = 	snop  }
0x7: {  	_ = 	snop  }
__scs_overlays_trampoline_lowered:
0x8: {  	[smem:$0x3FAC] =	sst s0  }
0x9: {  	[smem:$0x3FAD] =	sst s1  }
0xa: {  	[smem:$0x3FAE] =	sst s2  }
0xb: {  	[smem:$0x3FAF] =	sst s3  }
0xc: {  	[smem:$0x3FB0] =	sst s4  }
0xd: {  	[smem:$0x3FB1] =	sst s5  }
0xe: {  	[smem:$0x3FB2] =	sst s6  }
0xf: {  	[smem:$0x3FB3] =	sst s7  }
0x10: {  	[smem:$0x3FB4] =	sst s8  }
0x11: {  	[smem:$0x3FB5] =	sst s9;
	s0 =	simm.s32 @!p0 $0x0  }
0x12: {  	s1 =	sld [smem:$0x3F9B];
	s0 =	simm.s32 @p0 $0x1  }
0x13: {  	[smem:$0x3FB6] =	sst s0;
	s0 =	simm.s32 @!p1 $0x0  }
0x14: {  	s2 =	sld [smem:$0x3F9A];
	s0 =	simm.s32 @p1 $0x1  }
0x15: {  	[smem:$0x3FB7] =	sst s0;
	s0 =	simm.s32 @!p2 $0x0  }
0x16: {  	s3 =	sld [smem:$0x3FDB];
	s0 =	simm.s32 @p2 $0x1  }
0x17: {  	s4 =	simm.s32 $0x1BF5;
	[smem:$0x3FB9] =	sst s0  }
0x18: {  	s0 =	sld [smem:$0x3F9C];
	_ =	swait.ge [sflag:s4], $0x0  }
0x19: {  	s7 =	sld [smem:$0x3F9D]  }
0x1a: {  	s8 =	sadd.s32 $0xFFFFE003, lr  }
0x1b: {  	s9 =	sadd.s32 $0xFFFFFEF7, lr;
	s5 =	simm.s32 $0xFFFFFFFF;
	p2 =	slt.u32 s8, $0xFFFFF086  }
0x1c: {  	p1 =	slt.u32 s9, $0xF7A;
	s5 =	simm.s32 @!p2 $0x0  }
0x1d: {  	s5 =	simm.s32 @p1 $0x1;
	p0 =	seq.s32 s7, s2  }
0x1e: {  	s7 =	smul.u32 @!p0 $0xF7A, s2;
	p2 =	seq.s32 @!p0 s5, $0x0  }
0x1f: {  	s9 =	smul.u32 $0xF7A, s1;
	s8 =	simm.s32 @!p0 $0x1BF5;
	p2 =	por !p2, p0  }
0x20: {  	[sflag:s8] =	ssyncset.s32 @!p0 $0xFFFFF086;
	s6 =	sadd.s32 @!p0 s3, s7;
	s7 =	simm.s32 @!p0 $0x108  }
0x21: {  	s3 =	sadd.s32 s3, s9;
	s6 =	sadd.s32 @!p0 $0x88, s6;
	s7 =	simm.s32 @p2 $0x1082  }
0x22: {  	[simem:s7], [sflag:s8] =	dma.local @!p0 [hbm:s6], $0xF7A  }
0x23: {  	s9 =	sor.u32 $0xD0000000, s2;
	s6 =	simm.s32 $0x108;
	_ =	swait.ge @!p0 [sflag:s8], $0x0  }
0x24: {  	s3 =	sadd.s32 $0x88, s3;
	s6 =	simm.s32 @!p1 $0x1082;
	[sflag:s4] =	ssyncset.s32 $0xFFFFF086  }
0x25: {  	[simem:s6], [sflag:s4] =	dma.local [hbm:s3], $0xF7A  }
0x26: {  	[smem:$0x3F9D] =	sst s1;
	(tag) =	ssettag s2;
	_ =	strace s9  }
0x27: {  	s1 =	sld [smem:$0x3FAD]  }
0x28: {  	s2 =	sld [smem:$0x3FAE]  }
0x29: {  	s4 =	sld [smem:$0x3FB0]  }
0x2a: {  	p0 =	seq.s32 s5, $0x0;
	s5 =	sld [smem:$0x3FB1]  }
0x2b: {  	s6 =	sld [smem:$0x3FB2]  }
0x2c: {  	s7 =	sld [smem:$0x3FB3]  }
0x2d: {  	s3 =	simm.s32 $0x108;
	s8 =	sld [smem:$0x3FB4]  }
0x2e: {  	s3 =	simm.s32 @!p0 $0x1082;
	s9 =	sld [smem:$0x3FB5]  }
0x2f: {  	lr =	sadd.s32 s0, s3;
	s0 =	sld [smem:$0x3FAC]  }
0x30: {  	s3 =	sld [smem:$0x3FAF]  }
0x31: {  	[smem:$0x3FB8] =	sst s10  }
0x32: {  	s10 =	sld [smem:$0x3FB6];
	_ =	sdelay $0x3  }
0x33: {  	p0 =	seq.s32 s10, $0x1;
	s10 =	sld [smem:$0x3FB8];
	_ =	sdelay $0x3  }
0x34: {  	[smem:$0x3FB8] =	sst s10  }
0x35: {  	s10 =	sld [smem:$0x3FB7];
	_ =	sdelay $0x3  }
0x36: {  	p1 =	seq.s32 s10, $0x1;
	s10 =	sld [smem:$0x3FB8];
	_ =	sdelay $0x3  }
0x37: {  	[smem:$0x3FB8] =	sst s10  }
0x38: {  	s10 =	sld [smem:$0x3FB9]  }
0x39: {  	_ = 	snop;
	(pc) =	sbr.ind lr, $3  }
0x3a: {  	_ = 	snop  }
0x3b: {  	_ = 	snop  }
0x3c: {  	p2 =	seq.s32 s10, $0x1;
	s10 =	sld [smem:$0x3FB8]  }
0x3d: {  	_ =	shalt  }
0x3e: {  	_ =	shalt  }
0x3f: {  	_ =	shalt  }
0x40: {  	_ =	shalt  }
0x41: {  	_ =	shalt  }
0x42: {  	_ =	shalt  }
0x43: {  	_ =	shalt  }
0x44: {  	_ =	shalt  }
0x45: {  	_ =	shalt  }
0x46: {  	_ =	shalt  }
0x47: {  	_ =	shalt  }
0x48: {  	_ =	shalt  }
0x49: {  	_ =	shalt  }
0x4a: {  	_ =	shalt  }
0x4b: {  	_ =	shalt  }
0x4c: {  	_ =	shalt  }
0x4d: {  	_ =	shalt  }
0x4e: {  	_ =	shalt  }
0x4f: {  	_ =	shalt  }
0x50: {  	_ =	shalt  }
0x51: {  	_ =	shalt  }
0x52: {  	_ =	shalt  }
0x53: {  	_ =	shalt  }
0x54: {  	_ =	shalt  }
0x55: {  	_ =	shalt  }
0x56: {  	_ =	shalt  }
0x57: {  	_ =	shalt  }
0x58: {  	_ =	shalt  }
0x59: {  	_ =	shalt  }
0x5a: {  	_ =	shalt  }
0x5b: {  	_ =	shalt  }
0x5c: {  	_ =	shalt  }
0x5d: {  	_ =	shalt  }
0x5e: {  	_ =	shalt  }
0x5f: {  	_ =	shalt  }
0x60: {  	_ =	shalt  }
0x61: {  	_ =	shalt  }
0x62: {  	_ =	shalt  }
0x63: {  	_ =	shalt  }
0x64: {  	_ =	shalt  }
0x65: {  	_ =	shalt  }
0x66: {  	_ =	shalt  }
0x67: {  	_ =	shalt  }
0x68: {  	_ =	shalt  }
0x69: {  	_ =	shalt  }
0x6a: {  	_ =	shalt  }
0x6b: {  	_ =	shalt  }
0x6c: {  	_ =	shalt  }
0x6d: {  	_ =	shalt  }
0x6e: {  	_ =	shalt  }
0x6f: {  	_ =	shalt  }
0x70: {  	_ =	shalt  }
0x71: {  	_ =	shalt  }
0x72: {  	_ =	shalt  }
0x73: {  	_ =	shalt  }
0x74: {  	_ =	shalt  }
0x75: {  	_ =	shalt  }
0x76: {  	_ =	shalt  }
0x77: {  	_ =	shalt  }
0x78: {  	_ =	shalt  }
0x79: {  	_ =	shalt  }
0x7a: {  	_ =	shalt  }
0x7b: {  	_ =	shalt  }
0x7c: {  	_ =	shalt  }
0x7d: {  	_ =	shalt  }
0x7e: {  	_ =	shalt  }
0x7f: {  	_ =	shalt  }
0x80: {  	_ =	shalt  }
0x81: {  	_ =	shalt  }
0x82: {  	_ =	shalt  }
0x83: {  	_ =	shalt  }
0x84: {  	_ =	shalt  }
0x85: {  	_ =	shalt  }
0x86: {  	_ =	shalt  }
0x87: {  	_ =	shalt  }
.Lfunc_end0:
.L_simem_size_0:
called_computation_lowered:
.L_overlay_start_0:
0x88: {  	s2 =	sld [smem:$0x3FD9]  }
0x89: {  	s3 =	sld [smem:$0x3FFE];
	_ =	sdelay $0x1  }
0x8a: {  	s1 =	srdreg.scid  }
0x8b: {  	s0 =	sand.u32 $0x1, s1  }
0x8c: {  	s17 =	sshll.u32 s0, $0xA;
	s2 =	sadd.s32 s3, s2  }
0x8d: {  	s2 =	sadd.s32 s2, s17  }
0x8e: {  	[smem:$0x3FC4] =	sst s2  }
0x8f: {  	_ = 	snop  }
0x90: {  	s2 =	sld [smem:$0x3FC9]  }
0x91: {  	s18 =	sld [smem:$0x3FD0];
	(tm) =	ssettm $0x1  }
0x92: {  	s4 =	sld [smem:$0x3FFB];
	_ =	sdelay $0x3  }
0x93: {  	_ =	strace s4  }
0x94: {  	s4 =	sld [smem:$0x3FFC];
	_ =	sdelay $0x3  }
0x95: {  	_ =	strace s4  }
0x96: {  	s4 =	sld [smem:$0x3FFD];
	_ =	sdelay $0x3  }
0x97: {  	_ =	strace s4  }
0x98: {  	_ =	strace $0x8FFFFFFF  }
0x99: {  	s19 =	sld [smem:$0x3FDB];
	_ =	sdelay $0x1  }
0x9a: {  	s5 =	simm.s32 $_scs_section_size  }
0x9b: {  	s6 =	simm.s32 $_size__tile_overlayer_lowered;
	s7 =	simm.s32 $_tile_overlayer_lowered  }
0x9c: {  	s22 =	simm.s32 $0x1BFF;
	s21 =	sshll.u32 s7, $0x1;
	s4 =	sadd.s32 s5, s19  }
0x9d: {  	s8 =	simm.s32 $0x0;
	s20 =	sshll.u32 s6, $0x1;
	s6 =	sadd.s32 s21, s4  }
0x9e: {  	[timem:s8], [sflag:s22] =	dma.local [hbm:s6], s20  }
0x9f: {  	_ =	swait.ge [sflag:s22], s20  }
0xa0: {  	s5 =	ssub.s32 $0x0, s20;
	[sflag:s22] =	ssyncset.done $0x0  }
0xa1: {  	[sflag:s22] =	ssyncadd.s32 s5;
	_ =	sdelay $0x1  }
0xa2: {  	s23 =	simm.s32 $0x1B8B  }
0xa3: {  	_ =	swait.ge [sflag:s23], $0x1  }
0xa4: {  	[sflag:s23] =	ssyncset.done $0x0  }
0xa5: {  	s25 =	simm.s32 $0x1B8E;
	s24 =	sld [smem:$0x3FFE];
	[sflag:s23] =	ssyncadd.s32 $0xFFFFFFFF  }
0xa6: {  	s26 =	simm.s32 $execute0_lowered;
	[smem:$0x3FD2] =	sst s25  }
0xa7: {  	s6 =	sshll.u32 s26, $0x1;
	_ =	strace $0x80000046;
	[dreg:$0x1] =	wrdreg $0xFFFFFFFF  }
0xa8: {  	s28 =	simm.s32 $_size_execute0_lowered;
	s4 =	sadd.s32 s4, s6;
	[dreg:$0x0] =	wrdreg $0x0  }
0xa9: {  	s6 =	sshll.u32 s28, $0x1;
	[dreg:$0x2] =	wrdreg s4  }
0xaa: {  	[dreg:$0x3] =	wrdreg s6  }
0xab: {  	[dreg:$0x4] =	wrdreg $0xC0  }
0xac: {  	_ =	task [dreg:s8], $0x5FFFF  }
0xad: {  	[dreg:$0x1] =	wrdreg $0xFFFFFFFF  }
0xae: {  	[dreg:$0x0] =	wrdreg $0x60  }
0xaf: {  	[dreg:$0x2] =	wrdreg s24  }
0xb0: {  	[dreg:$0x3] =	wrdreg s2  }
0xb1: {  	[dreg:$0x4] =	wrdreg s18  }
0xb2: {  	[dreg:$0x5] =	wrdreg $0x9  }
0xb3: {  	_ =	task.clear_ibuf [dreg:s8], $0x6FFFF;
	_ =	strace $0x90000046  }
0xb4: {  	s29 =	simm.s32 $0x9;
	_ =	strace $0x80000048  }
0xb5: {  	_ =	swait.ge [sflag:s29], $0x1  }
0xb6: {  	[sflag:s29] =	ssyncadd.s32 $0xFFFFFFFF  }
0xb7: {  	_ =	strace $0x90000048  }
0xb8: {  	_ =	sfence  }
0xb9: {  	s30 =	sld [smem:$0x0];
	_ =	sdelay $0x2  }
0xba: {  	s31 =	sshll.u32 s1, $0xD;
	s1 =	sshrl.u32 s1, $0x2  }
0xbb: {  	s3 =	sand.u32 $0x4000, s31;
	s1 =	sadd.s32 s1, s30  }
0xbc: {  	s0 =	sor.u32 s3, s0;
	s1 =	sshll.u32 s1, $0x11  }
0xbd: {  	s0 =	sor.u32 s1, s0  }
0xbe: {  	s0 =	sadd.s32 $0x8F2B, s0  }
0xbf: {  	[sflag:s0] =	ssyncadd.remote.s32 $0x1  }
0xc0: {  	_ =	sfence.sel $0xFFFF  }
0xc1: {  	[dreg:$0x0] =	wrdreg $0xFFFFFFFF;
	(pc) =	sbr.abs _section_cstart, $3  }
0xc2: {  	[dreg:$0x1] =	wrdreg $0xFFFFFFFF  }
0xc3: {  	_ =	task.clear_ibuf [dreg:s8], $0x2FFFF;
	_ =	strace $0x9FFFFFFF  }
0xc4: {  	(tm) =	ssettm $0x7FFFFFFF  }
0xc5: {  	_ =	shalt  }
tec
execute0_lowered:
.L_overlay_start_1:
0x0: {  	(tag) =	ssettag $0x1  }
0x1: {  	s0 =	rddreg [dreg:$0x0]  }
0x2: {  	s1 =	rddreg [dreg:$0x1]  }
0x3: {  	s11 =	rddreg [dreg:$0x2]  }
0x4: {  	s2 =	srdreg.scid;
	s10 =	stileid.u32  }
0x5: {  	s16 =	simm.s32 $0x9;
	s17 =	simm.s32 $0x80;
	s18 =	simm.s32 $0x4000  }
0x6: {  	s19 =	simm.s32 $0x1;
	s20 =	simm.s32 $0x8000;
	s21 =	simm.s32 $0x2  }
0x7: {  	s28 =	simm.s32 $0x4;
	s29 =	simm.s32 $0x5;
	s30 =	simm.s32 $0x6  }
0x8: {  	s31 =	simm.s32 $0x7;
	s12 =	sand.u32 $0x1, s2;
	s2 =	simm.s32 $0x0  }
0x9: {  	s3 =	sshll.u32 s10, $0xA;
	s26 =	sshll.u32 s10, $0xE;
	s4 =	sshll.u32 s12, $0x9  }
0xa: {  	[smem:$0x7FF] =	sst s2;
	s5 =	ssub.s32 $0x2, s12;
	s13 =	sshll.u32 s12, $0xD  }
0xb: {  	s6 =	sor.u32 s4, s3;
	_ =	strace $0x80000047;
	s22 =	sshrl.u32 s5, $0x1  }
0xc: {  	s3 =	sadd.s32 $0xC00, s0;
	s0 =	simm.s32 $0x8;
	s7 =	sshll.u32 s6, $0x4  }
0xd: {  	s23 =	ssub.s32 s5, s22;
	s1 =	sadd.s32 s1, s6;
	s22 =	simm.s32 $0x0  }
0xe: {  	s4 =	sadd.s32 s11, s7;
	[dreg:$0x5] =	wrdreg s1;
	s1 =	sadd.s32 s26, s11  }
0xf: {  	s26 =	simm.s32 $0x10000;
	s24 =	sadd.s32 $0x800, s4;
	s25 =	sadd.s32 $0x1000, s4  }
0x10: {  	s8 =	sadd.s32 $0x1800, s4;
	s9 =	sadd.s32 $0x640000, s4;
	s10 =	sadd.s32 $0x640800, s4  }
0x11: {  	s11 =	sadd.s32 $0x641000, s4;
	s12 =	sadd.s32 $0x641800, s4;
	[dreg:$0x6] =	wrdreg s24  }
0x12: {  	s1 =	sadd.s32 s13, s1;
	s13 =	smax.u32 s23, $0x1;
	[dreg:$0x7] =	wrdreg s25  }
0x13: {  	s23 =	simm.s32 $0xC000;
	[dreg:$0x4] =	wrdreg s1;
	s24 =	simm.s32 $0x3  }
.LBB2_1:
0x14: {  	s1 =	rddreg [dreg:$0x5];
	s5 =	simm.s32 $0x1000;
	s6 =	simm.s32 $0x20000  }
0x15: {  	[tilespmem:s2], [sflag:$0x9] =	stream.strided.gather [hbm4b:s1+s5], $0x4000, s6, s5, $0x38;
	[tilespmem:$0x14000] =	vst v63  }
0x16: {  	_ =	swait.ge [sflag:s16], $0x4000  }
0x17: {  	[sflag:s16] =	ssyncset.done $0x0  }
0x18: {  	[sflag:s16] =	ssyncadd.s32 $0xFFFFC000  }
0x19: {  	[tilespmem:s18], [sflag:$0x1] =	stream.indirect.gather [hbm4b:s3+s17], $0x80, s2, s17, $0xb8;
	[tilespmem:$0x14000] =	vst v63  }
0x1a: {  	_ =	swait.ge [sflag:s19], $0x4000  }
0x1b: {  	[sflag:s19] =	ssyncset.done $0x0  }
0x1c: {  	s25 =	simm.s32 $0x400;
	[sflag:s19] =	ssyncadd.s32 $0xFFFFC000  }
0x1d: {  	[tilespmem:s20], [sflag:$0x2] =	stream.indirect.gather [hbm4b:s3+s17], $0x80, s25, s17, $0xb8;
	[tilespmem:$0x14000] =	vst v63  }
0x1e: {  	_ = 	snop  }
0x1f: {  	[hbm4b:s4+s2] =	stream.linear.scatter [tilespmem:s18], [sflag:$0x5], $0x4000, $0x38;
	[tilespmem:$0x14000] =	vst v63  }
0x20: {  	_ =	swait.ge [sflag:s21], $0x4000  }
0x21: {  	[sflag:s21] =	ssyncset.done $0x0  }
0x22: {  	s5 =	simm.s32 $0x800;
	[sflag:s21] =	ssyncadd.s32 $0xFFFFC000  }
0x23: {  	[tilespmem:s23], [sflag:$0x3] =	stream.indirect.gather [hbm4b:s3+s17], $0x80, s5, s17, $0xb8;
	[tilespmem:$0x14000] =	vst v63  }
0x24: {  	s6 =	rddreg [dreg:$0x6]  }
0x25: {  	[hbm4b:s6+s2] =	stream.linear.scatter [tilespmem:s20], [sflag:$0x6], $0x4000, $0x38;
	[tilespmem:$0x14000] =	vst v63  }
0x26: {  	_ =	swait.ge [sflag:s24], $0x4000  }
0x27: {  	[sflag:s24] =	ssyncset.done $0x0  }
0x28: {  	s7 =	simm.s32 $0xC00;
	[sflag:s24] =	ssyncadd.s32 $0xFFFFC000  }
0x29: {  	[tilespmem:s26], [sflag:$0x4] =	stream.indirect.gather [hbm4b:s3+s17], $0x80, s7, s17, $0xb8;
	[tilespmem:$0x14000] =	vst v63  }
0x2a: {  	s14 =	rddreg [dreg:$0x7]  }
0x2b: {  	[hbm4b:s14+s2] =	stream.linear.scatter [tilespmem:s23], [sflag:$0x7], $0x4000, $0x38;
	[tilespmem:$0x14000] =	vst v63  }
0x2c: {  	_ =	swait.ge [sflag:s28], $0x4000  }
0x2d: {  	[sflag:s28] =	ssyncset.done $0x0  }
0x2e: {  	[sflag:s28] =	ssyncadd.s32 $0xFFFFC000  }
0x2f: {  	_ =	swait.ge [sflag:s29], $0x4000  }
0x30: {  	[sflag:s29] =	ssyncset.done $0x0  }
0x31: {  	[sflag:s29] =	ssyncadd.s32 $0xFFFFC000  }
0x32: {  	[tilespmem:s18], [sflag:$0x1] =	stream.indirect.gather [hbm4b:s3+s17], $0x80, s17, s17, $0xb8;
	[tilespmem:$0x14000] =	vst v63  }
0x33: {  	_ = 	snop  }
0x34: {  	[hbm4b:s8+s2] =	stream.linear.scatter [tilespmem:s26], [sflag:$0x8], $0x4000, $0x38;
	[tilespmem:$0x14000] =	vst v63  }
0x35: {  	_ =	swait.ge [sflag:s19], $0x4000  }
0x36: {  	[sflag:s19] =	ssyncset.done $0x0  }
0x37: {  	s15 =	simm.s32 $0x200;
	s14 =	simm.s32 $0x80;
	[sflag:s19] =	ssyncadd.s32 $0xFFFFC000  }
0x38: {  	s1 =	sand.u32 $0x3000, s15;
	s14 =	sand.u32 $0x380, s14;
	_ =	swait.ge [sflag:s30], $0x4000  }
0x39: {  	s1 =	sor.u32 s14, s1;
	[sflag:s30] =	ssyncset.done $0x0  }
0x3a: {  	s15 =	sor.u32 $0x400, s1;
	s5 =	rddreg [dreg:$0x4];
	[sflag:s30] =	ssyncadd.s32 $0xFFFFC000  }
0x3b: {  	[tilespmem:s20], [sflag:$0x2] =	stream.indirect.gather [hbm4b:s3+s17], $0x80, s15, s17, $0xb8;
	[tilespmem:$0x14000] =	vst v63  }
0x3c: {  	s15 =	sadd.s32 $0x0, s5  }
0x3d: {  	s14 =	sadd.s32 $0x40000, s15  }
0x3e: {  	[hbm4b:s14+s2] =	stream.linear.scatter [tilespmem:s18], [sflag:$0x5], $0x4000, $0x38;
	[tilespmem:$0x14000] =	vst v63  }
0x3f: {  	_ =	swait.ge [sflag:s21], $0x4000  }
0x40: {  	[sflag:s21] =	ssyncset.done $0x0  }
0x41: {  	[sflag:s21] =	ssyncadd.s32 $0xFFFFC000  }
0x42: {  	_ =	swait.ge [sflag:s31], $0x4000  }
0x43: {  	[sflag:s31] =	ssyncset.done $0x0  }
0x44: {  	s6 =	sor.u32 $0x800, s1;
	[sflag:s31] =	ssyncadd.s32 $0xFFFFC000  }
0x45: {  	[tilespmem:s23], [sflag:$0x3] =	stream.indirect.gather [hbm4b:s3+s17], $0x80, s6, s17, $0xb8;
	[tilespmem:$0x14000] =	vst v63  }
0x46: {  	s7 =	sadd.s32 $0x40800, s15  }
0x47: {  	[hbm4b:s7+s2] =	stream.linear.scatter [tilespmem:s20], [sflag:$0x6], $0x4000, $0x38;
	[tilespmem:$0x14000] =	vst v63  }
0x48: {  	_ =	swait.ge [sflag:s24], $0x4000  }
0x49: {  	[sflag:s24] =	ssyncset.done $0x0  }
0x4a: {  	[sflag:s24] =	ssyncadd.s32 $0xFFFFC000  }
0x4b: {  	_ =	swait.ge [sflag:s0], $0x4000  }
0x4c: {  	[sflag:s0] =	ssyncset.done $0x0  }
0x4d: {  	s1 =	sor.u32 $0xC00, s1;
	[sflag:s0] =	ssyncadd.s32 $0xFFFFC000  }
0x4e: {  	[tilespmem:s26], [sflag:$0x4] =	stream.indirect.gather [hbm4b:s3+s17], $0x80, s1, s17, $0xb8;
	[tilespmem:$0x14000] =	vst v63  }
0x4f: {  	s5 =	sadd.s32 $0x41000, s15  }
0x50: {  	[hbm4b:s5+s2] =	stream.linear.scatter [tilespmem:s23], [sflag:$0x7], $0x4000, $0x38;
	[tilespmem:$0x14000] =	vst v63  }
0x51: {  	_ =	swait.ge [sflag:s28], $0x4000  }
0x52: {  	[sflag:s28] =	ssyncset.done $0x0  }
0x53: {  	[sflag:s28] =	ssyncadd.s32 $0xFFFFC000  }
0x54: {  	s15 =	sadd.s32 $0x41800, s15;
	s1 =	simm.s32 $0x100;
	_ =	swait.ge [sflag:s29], $0x4000  }
0x55: {  	s6 =	sand.u32 $0x7000, s25;
	s7 =	sand.u32 $0x380, s1;
	[sflag:s29] =	ssyncset.done $0x0  }
0x56: {  	s14 =	simm.s32 $0x40000;
	s5 =	sor.u32 s7, s6;
	[sflag:s29] =	ssyncadd.s32 $0xFFFFC000  }
0x57: {  	[tilespmem:s18], [sflag:$0x1] =	stream.indirect.gather [hbm4b:s3+s17], $0x80, s5, s17, $0xb8;
	[tilespmem:$0x14000] =	vst v63  }
.LBB2_2:
0x58: {  	[hbm4b:s15+s2] =	stream.linear.scatter [tilespmem:s26], [sflag:$0x8], $0x4000, $0x38;
	[tilespmem:$0x14000] =	vst v63  }
0x59: {  	s1 =	sadd.s32 $0x80, s1;
	_ =	swait.ge [sflag:s19], $0x4000  }
0x5a: {  	s25 =	sadd.s32 $0x200, s25;
	s5 =	smov.u32 s14;
	[sflag:s19] =	ssyncset.done $0x0  }
0x5b: {  	s7 =	sadd.s32 $0xFFFFFE00, s25;
	s6 =	sadd.s32 $0xFFFFFF80, s1;
	[sflag:s19] =	ssyncadd.s32 $0xFFFFC000  }
0x5c: {  	s15 =	sand.u32 $0x3000, s7;
	s6 =	sand.u32 $0x380, s6;
	_ =	swait.ge [sflag:s30], $0x4000  }
0x5d: {  	s6 =	sor.u32 s6, s15;
	[sflag:s30] =	ssyncset.done $0x0;
	s15 =	rddreg [dreg:$0x4]  }
0x5e: {  	s7 =	sor.u32 $0x400, s6;
	[sflag:s30] =	ssyncadd.s32 $0xFFFFC000;
	s5 =	sadd.s32 s5, s15  }
0x5f: {  	[tilespmem:s20], [sflag:$0x2] =	stream.indirect.gather [hbm4b:s3+s17], $0x80, s7, s17, $0xb8;
	[tilespmem:$0x14000] =	vst v63  }
0x60: {  	s15 =	sadd.s32 $0x40000, s5  }
0x61: {  	[hbm4b:s15+s2] =	stream.linear.scatter [tilespmem:s18], [sflag:$0x5], $0x4000, $0x38;
	[tilespmem:$0x14000] =	vst v63  }
0x62: {  	_ =	swait.ge [sflag:s21], $0x4000  }
0x63: {  	[sflag:s21] =	ssyncset.done $0x0  }
0x64: {  	[sflag:s21] =	ssyncadd.s32 $0xFFFFC000  }
0x65: {  	_ =	swait.ge [sflag:s31], $0x4000  }
0x66: {  	[sflag:s31] =	ssyncset.done $0x0  }
0x67: {  	s7 =	sor.u32 $0x800, s6;
	[sflag:s31] =	ssyncadd.s32 $0xFFFFC000  }
0x68: {  	[tilespmem:s23], [sflag:$0x3] =	stream.indirect.gather [hbm4b:s3+s17], $0x80, s7, s17, $0xb8;
	[tilespmem:$0x14000] =	vst v63  }
0x69: {  	s15 =	sadd.s32 $0x40800, s5  }
0x6a: {  	[hbm4b:s15+s2] =	stream.linear.scatter [tilespmem:s20], [sflag:$0x6], $0x4000, $0x38;
	[tilespmem:$0x14000] =	vst v63  }
0x6b: {  	_ =	swait.ge [sflag:s24], $0x4000  }
0x6c: {  	[sflag:s24] =	ssyncset.done $0x0  }
0x6d: {  	[sflag:s24] =	ssyncadd.s32 $0xFFFFC000  }
0x6e: {  	_ =	swait.ge [sflag:s0], $0x4000  }
0x6f: {  	[sflag:s0] =	ssyncset.done $0x0  }
0x70: {  	s6 =	sor.u32 $0xC00, s6;
	[sflag:s0] =	ssyncadd.s32 $0xFFFFC000  }
0x71: {  	[tilespmem:s26], [sflag:$0x4] =	stream.indirect.gather [hbm4b:s3+s17], $0x80, s6, s17, $0xb8;
	[tilespmem:$0x14000] =	vst v63  }
0x72: {  	s15 =	sadd.s32 $0x41000, s5  }
0x73: {  	[hbm4b:s15+s2] =	stream.linear.scatter [tilespmem:s23], [sflag:$0x7], $0x4000, $0x38;
	[tilespmem:$0x14000] =	vst v63  }
0x74: {  	_ =	swait.ge [sflag:s28], $0x4000  }
0x75: {  	p0 =	sne.s32 s14, $0x5C0000;
	[sflag:s28] =	ssyncset.done $0x0  }
.Ltmp0:
0x76: {  	[sflag:s28] =	ssyncadd.s32 $0xFFFFC000;
	(pc) =	sbr.rel @p0 .LBB2_2-.Ltmp0, $4  }
0x77: {  	s14 =	sadd.s32 $0x40000, s14;
	_ =	swait.ge [sflag:s29], $0x4000  }
0x78: {  	s7 =	sand.u32 $0x7000, s25;
	s15 =	sand.u32 $0x380, s1;
	[sflag:s29] =	ssyncset.done $0x0  }
0x79: {  	s6 =	sor.u32 s15, s7;
	s15 =	sadd.s32 $0x41800, s5;
	[sflag:s29] =	ssyncadd.s32 $0xFFFFC000  }
0x7a: {  	[tilespmem:s18], [sflag:$0x1] =	stream.indirect.gather [hbm4b:s3+s17], $0x80, s6, s17, $0xb8;
	[tilespmem:$0x14000] =	vst v63  }
0x7b: {  	[hbm4b:s15+s2] =	stream.linear.scatter [tilespmem:s26], [sflag:$0x8], $0x4000, $0x38;
	[tilespmem:$0x14000] =	vst v63  }
0x7c: {  	_ =	swait.ge [sflag:s19], $0x4000  }
0x7d: {  	[sflag:s19] =	ssyncset.done $0x0  }
0x7e: {  	[sflag:s19] =	ssyncadd.s32 $0xFFFFC000  }
0x7f: {  	_ =	swait.ge [sflag:s30], $0x4000  }
0x80: {  	[sflag:s30] =	ssyncset.done $0x0  }
0x81: {  	s1 =	simm.s32 $0x3480;
	[sflag:s30] =	ssyncadd.s32 $0xFFFFC000  }
0x82: {  	[tilespmem:s20], [sflag:$0x2] =	stream.indirect.gather [hbm4b:s3+s17], $0x80, s1, s17, $0xb8;
	[tilespmem:$0x14000] =	vst v63  }
0x83: {  	_ = 	snop  }
0x84: {  	[hbm4b:s9+s2] =	stream.linear.scatter [tilespmem:s18], [sflag:$0x5], $0x4000, $0x38;
	[tilespmem:$0x14000] =	vst v63  }
0x85: {  	_ =	swait.ge [sflag:s21], $0x4000  }
0x86: {  	[sflag:s21] =	ssyncset.done $0x0  }
0x87: {  	[sflag:s21] =	ssyncadd.s32 $0xFFFFC000  }
0x88: {  	_ =	swait.ge [sflag:s31], $0x4000  }
0x89: {  	[sflag:s31] =	ssyncset.done $0x0  }
0x8a: {  	s15 =	simm.s32 $0x3880;
	[sflag:s31] =	ssyncadd.s32 $0xFFFFC000  }
0x8b: {  	[tilespmem:s23], [sflag:$0x3] =	stream.indirect.gather [hbm4b:s3+s17], $0x80, s15, s17, $0xb8;
	[tilespmem:$0x14000] =	vst v63  }
0x8c: {  	_ = 	snop  }
0x8d: {  	[hbm4b:s10+s2] =	stream.linear.scatter [tilespmem:s20], [sflag:$0x6], $0x4000, $0x38;
	[tilespmem:$0x14000] =	vst v63  }
0x8e: {  	_ =	swait.ge [sflag:s24], $0x4000  }
0x8f: {  	[sflag:s24] =	ssyncset.done $0x0  }
0x90: {  	[sflag:s24] =	ssyncadd.s32 $0xFFFFC000  }
0x91: {  	_ =	swait.ge [sflag:s0], $0x4000  }
0x92: {  	[sflag:s0] =	ssyncset.done $0x0  }
0x93: {  	s25 =	simm.s32 $0x3C80;
	[sflag:s0] =	ssyncadd.s32 $0xFFFFC000  }
0x94: {  	[tilespmem:s26], [sflag:$0x4] =	stream.indirect.gather [hbm4b:s3+s17], $0x80, s25, s17, $0xb8;
	[tilespmem:$0x14000] =	vst v63  }
0x95: {  	_ = 	snop  }
0x96: {  	[hbm4b:s11+s2] =	stream.linear.scatter [tilespmem:s23], [sflag:$0x7], $0x4000, $0x38;
	[tilespmem:$0x14000] =	vst v63  }
0x97: {  	_ =	swait.ge [sflag:s28], $0x4000  }
0x98: {  	[sflag:s28] =	ssyncset.done $0x0  }
0x99: {  	[sflag:s28] =	ssyncadd.s32 $0xFFFFC000  }
0x9a: {  	_ =	swait.ge [sflag:s29], $0x4000  }
0x9b: {  	[sflag:s29] =	ssyncset.done $0x0  }
0x9c: {  	[sflag:s29] =	ssyncadd.s32 $0xFFFFC000  }
0x9d: {  	[hbm4b:s12+s2] =	stream.linear.scatter [tilespmem:s26], [sflag:$0x8], $0x4000, $0x38;
	[tilespmem:$0x14000] =	vst v63  }
0x9e: {  	_ =	swait.ge [sflag:s30], $0x4000  }
0x9f: {  	[sflag:s30] =	ssyncset.done $0x0  }
0xa0: {  	s22 =	sadd.s32 $0x1, s22;
	[sflag:s30] =	ssyncadd.s32 $0xFFFFC000  }
0xa1: {  	p0 =	sne.s32 s22, s13;
	_ =	swait.ge [sflag:s31], $0x4000  }
.Ltmp1:
0xa2: {  	[sflag:s31] =	ssyncset.done $0x0;
	(pc) =	sbr.rel @p0 .LBB2_1-.Ltmp1, $4  }
0xa3: {  	[sflag:s31] =	ssyncadd.s32 $0xFFFFC000  }
0xa4: {  	_ =	swait.ge [sflag:s0], $0x4000  }
0xa5: {  	[sflag:s0] =	ssyncset.done $0x0  }
0xa6: {  	[sflag:s0] =	ssyncadd.s32 $0xFFFFC000  }
0xa7: {  	_ =	sfence.sel $0x180000  }
0xa8: {  	[bflag:$0x0] =	sbarrier.arrive $0xFFFF  }
0xa9: {  	_ =	strace $0x90000047  }
0xaa: {  	s0 =	stileid.u32;
	[bflag:$0x2] =	sbarrier.arrive $0xFFFF  }
0xab: {  	p0 =	sne.s32 s0, $0x0;
	s0 =	rddreg [dreg:$0x3]  }
0xac: {  	s0 =	sadd.s32 @!p0 $0x100000, s0  }
0xad: {  	[sflag:s0] =	ssyncadd.tile.s32 @!p0 $0x1;
	_ =	shalt  }
.Lfunc_end2:
_tile_overlayer_lowered:
.L_overlay_start_2:
0xae: {  	(tag) =	ssettag $0x2  }
0xaf: {  	s0 =	rddreg [dreg:$0x0];
	s2 =	stileid.u32  }
0xb0: {  	s1 =	rddreg [dreg:$0x1];
	p0 =	sne.s32 s2, $0x0  }
0xb1: {  	s3 =	rddreg [dreg:$0x2];
	[bflag:$0x3] =	sbarrier.arrive $0xFFFF;
	s2 =	simm.s32 @!p0 $0x1C09  }
0xb2: {  	[timem:s3], [sflag:s2] =	dma.local @!p0 [hbm:s0], s1  }
0xb3: {  	s0 =	simm.s32 @!p0 $0x9  }
0xb4: {  	_ =	swait.ge @!p0 [sflag:s0], s1  }
0xb5: {  	s1 =	ssub.s32 @!p0 $0x0, s1;
	[sflag:s0] =	ssyncset.done @!p0 $0x0  }
0xb6: {  	[sflag:s0] =	ssyncadd.s32 @!p0 s1  }
0xb7: {  	[bflag:$0x3] =	sbarrier.arrive $0xFFFF  }
0xb8: {  	_ =	shalt  }

</sc_bundles>
